<compile_context>
chip_gen: v7x
topology: tpu7x:2x2x1
jax: 0.10.2.dev20260603
libtpu: 0.0.44.dev20260713+nightly
codegen_flags: <defaults>
</compile_context>

<pallas_src>
import functools

import jax
import jax.numpy as jnp
from jax import lax
from jax.experimental import pallas as pl
from jax.experimental.pallas import tpu as pltpu
from jax.experimental.pallas import tpu_sc as plsc

D = 16
NV = 1000000
GW = 128
RPG = GW // D
NG = NV // RPG
B = 16384
NC = 2
NS = 16
NW = NC * NS
BPW = B // NW
HP = BPW // 2
CH = 128
NCH = HP // CH

GB = 1248
CPB = GB * RPG
TCN = -(-NV // CPB)
NGP = TCN * GB

_mesh = plsc.VectorSubcoreMesh(core_axis_name="c", subcore_axis_name="s")


def _repack_body(in_ref, out_ref):
    b = in_ref[...]
    t = jnp.transpose(b)
    t3 = t.reshape(GB, RPG, D)
    out_ref[...] = jnp.concatenate(
        [t3[:, s, :] for s in range(RPG)], axis=1)


_repack = pl.pallas_call(
    _repack_body,
    out_shape=jax.ShapeDtypeStruct((NGP, GW), jnp.float32),
    grid=(TCN,),
    in_specs=[pl.BlockSpec((D, CPB), lambda i: (0, i))],
    out_specs=pl.BlockSpec((GB, GW), lambda i: (i, 0)),
)


@functools.partial(
    pl.kernel,
    out_type=jax.ShapeDtypeStruct((B,), jnp.float32),
    mesh=_mesh,
    compiler_params=pltpu.CompilerParams(needs_layout_passes=False),
    scratch_types=[
        pltpu.VMEM((BPW,), jnp.int32),
        pltpu.VMEM((BPW,), jnp.int32),
        pltpu.VMEM((BPW,), jnp.int32),
        pltpu.VMEM((BPW,), jnp.int32),
        pltpu.VMEM((HP, GW), jnp.float32),
        pltpu.VMEM((HP, GW), jnp.float32),
        pltpu.VMEM((BPW,), jnp.float32),
        pltpu.SemaphoreType.DMA,
    ],
)
def _skipgram_sc(ci_hbm, xi_hbm, cw_hbm, xw_hbm, out_hbm,
                 ci_v, xi_v, cg_v, xg_v, v_v, u_v, o_v, sem):
    wid = lax.axis_index("s") * NC + lax.axis_index("c")
    base = wid * BPW

    pltpu.sync_copy(ci_hbm.at[pl.ds(base, BPW)], ci_v)
    pltpu.sync_copy(xi_hbm.at[pl.ds(base, BPW)], xi_v)

    def gid_body(t, carry):
        sl = pl.ds(t * 16, 16)
        cg_v[sl] = lax.shift_right_logical(ci_v[sl], 3)
        xg_v[sl] = lax.shift_right_logical(xi_v[sl], 3)
        return carry

    lax.fori_loop(0, BPW // 16, gid_body, 0)

    lanes = lax.iota(jnp.int32, 16)

    for h in range(2):
        hbase = h * HP
        copies = []
        for c in range(NCH):
            ssl = pl.ds(hbase + c * CH, CH)
            dsl = pl.ds(c * CH, CH)
            copies.append(
                pltpu.async_copy(cw_hbm.at[cg_v.at[ssl]], v_v.at[dsl], sem))
            copies.append(
                pltpu.async_copy(xw_hbm.at[xg_v.at[ssl]], u_v.at[dsl], sem))
        for cp in copies:
            cp.wait()

        def chunk_body(k, carry):
            isl = pl.ds(hbase + k * 16, 16)
            srow = (ci_v[isl] & 7) * D
            urow = (xi_v[isl] & 7) * D
            prow = k * 16 + lanes
            acc = jnp.zeros((16,), jnp.float32)
            for d in range(D):
                cv = plsc.load_gather(v_v, [prow, srow + d])
                cu = plsc.load_gather(u_v, [prow, urow + d])
                acc = acc + cv * cu
            o_v[pl.ds(hbase + k * 16, 16)] = acc
            return carry

        lax.fori_loop(0, HP // 16, chunk_body, 0)

    pltpu.sync_copy(o_v, out_hbm.at[pl.ds(base, BPW)])


def kernel(tc_center, tc_context, center_weight, context_weight):
    cw = _repack(jnp.transpose(center_weight))
    xw = _repack(jnp.transpose(context_weight))
    return _skipgram_sc(tc_center, tc_context, cw, xw)

# --- scband reference (transcript-rebuilt; emitter-appended) ---
"""Pipeline reference for scband-skip-gram-41360535061213 (READ-ONLY COPY).

The authoritative reference and input builder live on the scoring server;
editing this copy changes nothing except your own understanding.
"""

import jax, jax.numpy as jnp
import numpy as np

N_VOCAB = 1000000
N_EMBEDD = 16
BATCH = 16384

def setup_inputs(seed: int = 0) -> dict:
    key = jax.random.key(seed)
    k1, k2, k3, k4 = jax.random.split(key, 4)
    center_weight = jax.random.normal(k1, (N_VOCAB, N_EMBEDD), dtype=jnp.float32) * 0.01
    context_weight = jax.random.normal(k2, (N_VOCAB, N_EMBEDD), dtype=jnp.float32) * 0.01
    tc_center = jax.random.randint(k3, (BATCH,), 0, N_VOCAB, dtype=jnp.int32)
    tc_context = jax.random.randint(k4, (BATCH,), 0, N_VOCAB, dtype=jnp.int32)
    return {
        'tc_center': tc_center,
        'tc_context': tc_context,
        'center_weight': center_weight,
        'context_weight': context_weight,
    }

def reference(tc_center, tc_context, center_weight, context_weight):
    # f_center: gather center embeddings
    v = jnp.take(center_weight, tc_center, axis=0)   # [B, n_embedd]
    # f_context: gather context embeddings
    u = jnp.take(context_weight, tc_context, axis=0) # [B, n_embedd]
    # skip-gram positive score: dot(v, u) per pair
    pos_score = jnp.sum(v * u, axis=-1)              # [B]
    return pos_score

if __name__ == "__main__":
    import jax
    _d = setup_inputs()
    print(jax.jit(kernel)(*tuple(_d.values())))

</pallas_src>

<mosaic_0001>
#map = affine_map<(d0, d1) -> (0)>
#map1 = affine_map<(d0, d1) -> (0, 0)>
module attributes {stable_mosaic.version = 14 : i64} {
  func.func @_skipgram_sc(%arg0: i32, %arg1: i32, %arg2: memref<16384xi32, #tpu.memory_space<hbm>>, %arg3: memref<16384xi32, #tpu.memory_space<hbm>>, %arg4: memref<126048x128xf32, #tpu.memory_space<hbm>>, %arg5: memref<126048x128xf32, #tpu.memory_space<hbm>>, %arg6: memref<16384xf32, #tpu.memory_space<hbm>>, %arg7: memref<512xi32, #tpu.memory_space<vmem>>, %arg8: memref<512xi32, #tpu.memory_space<vmem>>, %arg9: memref<512xi32, #tpu.memory_space<vmem>>, %arg10: memref<512xi32, #tpu.memory_space<vmem>>, %arg11: memref<256x128xf32, #tpu.memory_space<vmem>>, %arg12: memref<256x128xf32, #tpu.memory_space<vmem>>, %arg13: memref<512xf32, #tpu.memory_space<vmem>>, %arg14: memref<!tpu.dma_semaphore, #tpu.memory_space<semaphore_mem>>) attributes {dimension_semantics = [#tpu.dimension_semantics<core_parallel>, #tpu.dimension_semantics<subcore_parallel>], iteration_bounds = array<i64: 2, 16>, scalar_prefetch = 0 : i64, scratch_operands = 8 : i64, tpu.core_type = #tpu.core_type<sc_vector_subcore>, window_params = [{transform_indices = #map}, {transform_indices = #map}, {transform_indices = #map1}, {transform_indices = #map1}, {transform_indices = #map}]} {
    %mul3A = arith.constant 2 : i32
    %mul3A_0 = arith.muli %arg1, %mul3A : i32
    %add3A = arith.addi %mul3A_0, %arg0 : i32
    %mul3A_1 = arith.constant 512 : i32
    %mul3A_2 = arith.muli %add3A, %mul3A_1 : i32
    "tpu.region"() ({
      %run_scoped3A = tpu.sem_alloc : memref<!tpu.dma_semaphore, #tpu.memory_space<semaphore_mem>>
      %dma_start3A_146 = tpu.memref_slice %arg2[%mul3A_2] : memref<16384xi32, #tpu.memory_space<hbm>> -> memref<512xi32, #tpu.memory_space<hbm>>
      %dma_start3A_147 = tpu.memref_slice %arg2[%mul3A_2] : memref<16384xi32, #tpu.memory_space<hbm>> -> memref<512xi32, #tpu.memory_space<hbm>>
      tpu.enqueue_dma source(%dma_start3A_147 : memref<512xi32, #tpu.memory_space<hbm>>) target(%arg7 : memref<512xi32, #tpu.memory_space<vmem>>) target_semaphore(%run_scoped3A : memref<!tpu.dma_semaphore, #tpu.memory_space<semaphore_mem>>)
      %dma_wait3A_148 = tpu.memref_slice %arg2[%mul3A_2] : memref<16384xi32, #tpu.memory_space<hbm>> -> memref<512xi32, #tpu.memory_space<hbm>>
      %dma_wait3A_149 = tpu.memref_slice %arg2[%mul3A_2] : memref<16384xi32, #tpu.memory_space<hbm>> -> memref<512xi32, #tpu.memory_space<hbm>>
      tpu.wait_dma2 semaphore(%run_scoped3A : memref<!tpu.dma_semaphore, #tpu.memory_space<semaphore_mem>>) src(%dma_wait3A_149 : memref<512xi32, #tpu.memory_space<hbm>>) dst(%arg7 : memref<512xi32, #tpu.memory_space<vmem>>)
      tpu.yield
    }) : () -> ()
    "tpu.region"() ({
      %run_scoped3A = tpu.sem_alloc : memref<!tpu.dma_semaphore, #tpu.memory_space<semaphore_mem>>
      %dma_start3A_146 = tpu.memref_slice %arg3[%mul3A_2] : memref<16384xi32, #tpu.memory_space<hbm>> -> memref<512xi32, #tpu.memory_space<hbm>>
      %dma_start3A_147 = tpu.memref_slice %arg3[%mul3A_2] : memref<16384xi32, #tpu.memory_space<hbm>> -> memref<512xi32, #tpu.memory_space<hbm>>
      tpu.enqueue_dma source(%dma_start3A_147 : memref<512xi32, #tpu.memory_space<hbm>>) target(%arg8 : memref<512xi32, #tpu.memory_space<vmem>>) target_semaphore(%run_scoped3A : memref<!tpu.dma_semaphore, #tpu.memory_space<semaphore_mem>>)
      %dma_wait3A_148 = tpu.memref_slice %arg3[%mul3A_2] : memref<16384xi32, #tpu.memory_space<hbm>> -> memref<512xi32, #tpu.memory_space<hbm>>
      %dma_wait3A_149 = tpu.memref_slice %arg3[%mul3A_2] : memref<16384xi32, #tpu.memory_space<hbm>> -> memref<512xi32, #tpu.memory_space<hbm>>
      tpu.wait_dma2 semaphore(%run_scoped3A : memref<!tpu.dma_semaphore, #tpu.memory_space<semaphore_mem>>) src(%dma_wait3A_149 : memref<512xi32, #tpu.memory_space<hbm>>) dst(%arg8 : memref<512xi32, #tpu.memory_space<vmem>>)
      tpu.yield
    }) : () -> ()
    %scan3A = arith.constant 0 : i32
    %scan3A_3 = arith.constant 0 : i32
    %scan3A_4 = arith.constant 32 : i32
    %scan3A_5 = arith.addi %scan3A_3, %scan3A_4 : i32
    %scan3A_6 = arith.constant 1 : i32
    scf.for %scan3A_146 = %scan3A_3 to %scan3A_5 step %scan3A_6  : i32 {
      %mul3A_147 = arith.constant 16 : i32
      %mul3A_148 = arith.muli %scan3A_146, %mul3A_147 : i32
      %get3A = arith.index_cast %mul3A_148 : i32 to index
      %get3A_149 = tpu.vector_load %arg7[%get3A] {strides = array<i32>} : memref<512xi32, #tpu.memory_space<vmem>>, vector<16xi32>,
      %shift_right_logical3A = arith.constant 3 : i32
      %shift_right_logical3A_150 = vector.broadcast %shift_right_logical3A : i32 to vector<16xi32>
      %shift_right_logical3A_151 = arith.shrui %get3A_149, %shift_right_logical3A_150 : vector<16xi32>
      %swap3A = arith.index_cast %mul3A_148 : i32 to index
      %swap3A_152 = tpu.vector_load %arg9[%swap3A] {strides = array<i32>} : memref<512xi32, #tpu.memory_space<vmem>>, vector<16xi32>,
      tpu.vector_store %arg9[%swap3A], %shift_right_logical3A_151 {strides = array<i32>} : memref<512xi32, #tpu.memory_space<vmem>>, vector<16xi32>,
      %get3A_153 = arith.index_cast %mul3A_148 : i32 to index
      %get3A_154 = tpu.vector_load %arg8[%get3A_153] {strides = array<i32>} : memref<512xi32, #tpu.memory_space<vmem>>, vector<16xi32>,
      %shift_right_logical3A_155 = arith.constant 3 : i32
      %shift_right_logical3A_156 = vector.broadcast %shift_right_logical3A_155 : i32 to vector<16xi32>
      %shift_right_logical3A_157 = arith.shrui %get3A_154, %shift_right_logical3A_156 : vector<16xi32>
      %swap3A_158 = arith.index_cast %mul3A_148 : i32 to index
      %swap3A_159 = tpu.vector_load %arg10[%swap3A_158] {strides = array<i32>} : memref<512xi32, #tpu.memory_space<vmem>>, vector<16xi32>,
      tpu.vector_store %arg10[%swap3A_158], %shift_right_logical3A_157 {strides = array<i32>} : memref<512xi32, #tpu.memory_space<vmem>>, vector<16xi32>,
    }
    %scan3A_7 = arith.constant 32 : i32
    %iota3A = tpu.iota {dimensions = array<i32: 0>} : vector<16xi32>
    %dma_start3A = arith.constant 0 : i32
    %dma_start3A_8 = arith.constant 0 : i32
    %dma_start3A_9 = tpu.memref_slice %arg11[%dma_start3A, %dma_start3A_8] : memref<256x128xf32, #tpu.memory_space<vmem>> -> memref<128x128xf32, #tpu.memory_space<vmem>>
    %dma_start3A_10 = arith.constant 0 : i32
    %dma_start3A_11 = tpu.memref_slice %arg9[%dma_start3A_10] : memref<512xi32, #tpu.memory_space<vmem>> -> memref<128xi32, #tpu.memory_space<vmem>>
    %dma_start3A_12 = arith.constant 0 : i32
    %dma_start3A_13 = arith.constant 0 : i32
    %dma_start3A_14 = tpu.memref_slice %arg4[%dma_start3A_12, %dma_start3A_13] : memref<126048x128xf32, #tpu.memory_space<hbm>> -> memref<126048x128xf32, #tpu.memory_space<hbm>>
    tpu.enqueue_indirect_dma source(%dma_start3A_14 : memref<126048x128xf32, #tpu.memory_space<hbm>>) target(%dma_start3A_9 : memref<128x128xf32, #tpu.memory_space<vmem>>) offsets(%dma_start3A_11 : memref<128xi32, #tpu.memory_space<vmem>>) semaphore(%arg14 : memref<!tpu.dma_semaphore, #tpu.memory_space<semaphore_mem>>)
    %dma_start3A_15 = arith.constant 0 : i32
    %dma_start3A_16 = arith.constant 0 : i32
    %dma_start3A_17 = tpu.memref_slice %arg12[%dma_start3A_15, %dma_start3A_16] : memref<256x128xf32, #tpu.memory_space<vmem>> -> memref<128x128xf32, #tpu.memory_space<vmem>>
    %dma_start3A_18 = arith.constant 0 : i32
    %dma_start3A_19 = tpu.memref_slice %arg10[%dma_start3A_18] : memref<512xi32, #tpu.memory_space<vmem>> -> memref<128xi32, #tpu.memory_space<vmem>>
    %dma_start3A_20 = arith.constant 0 : i32
    %dma_start3A_21 = arith.constant 0 : i32
    %dma_start3A_22 = tpu.memref_slice %arg5[%dma_start3A_20, %dma_start3A_21] : memref<126048x128xf32, #tpu.memory_space<hbm>> -> memref<126048x128xf32, #tpu.memory_space<hbm>>
    tpu.enqueue_indirect_dma source(%dma_start3A_22 : memref<126048x128xf32, #tpu.memory_space<hbm>>) target(%dma_start3A_17 : memref<128x128xf32, #tpu.memory_space<vmem>>) offsets(%dma_start3A_19 : memref<128xi32, #tpu.memory_space<vmem>>) semaphore(%arg14 : memref<!tpu.dma_semaphore, #tpu.memory_space<semaphore_mem>>)
    %dma_start3A_23 = arith.constant 128 : i32
    %dma_start3A_24 = arith.constant 0 : i32
    %dma_start3A_25 = tpu.memref_slice %arg11[%dma_start3A_23, %dma_start3A_24] : memref<256x128xf32, #tpu.memory_space<vmem>> -> memref<128x128xf32, #tpu.memory_space<vmem>>
    %dma_start3A_26 = arith.constant 128 : i32
    %dma_start3A_27 = tpu.memref_slice %arg9[%dma_start3A_26] : memref<512xi32, #tpu.memory_space<vmem>> -> memref<128xi32, #tpu.memory_space<vmem>>
    %dma_start3A_28 = arith.constant 0 : i32
    %dma_start3A_29 = arith.constant 0 : i32
    %dma_start3A_30 = tpu.memref_slice %arg4[%dma_start3A_28, %dma_start3A_29] : memref<126048x128xf32, #tpu.memory_space<hbm>> -> memref<126048x128xf32, #tpu.memory_space<hbm>>
    tpu.enqueue_indirect_dma source(%dma_start3A_30 : memref<126048x128xf32, #tpu.memory_space<hbm>>) target(%dma_start3A_25 : memref<128x128xf32, #tpu.memory_space<vmem>>) offsets(%dma_start3A_27 : memref<128xi32, #tpu.memory_space<vmem>>) semaphore(%arg14 : memref<!tpu.dma_semaphore, #tpu.memory_space<semaphore_mem>>)
    %dma_start3A_31 = arith.constant 128 : i32
    %dma_start3A_32 = arith.constant 0 : i32
    %dma_start3A_33 = tpu.memref_slice %arg12[%dma_start3A_31, %dma_start3A_32] : memref<256x128xf32, #tpu.memory_space<vmem>> -> memref<128x128xf32, #tpu.memory_space<vmem>>
    %dma_start3A_34 = arith.constant 128 : i32
    %dma_start3A_35 = tpu.memref_slice %arg10[%dma_start3A_34] : memref<512xi32, #tpu.memory_space<vmem>> -> memref<128xi32, #tpu.memory_space<vmem>>
    %dma_start3A_36 = arith.constant 0 : i32
    %dma_start3A_37 = arith.constant 0 : i32
    %dma_start3A_38 = tpu.memref_slice %arg5[%dma_start3A_36, %dma_start3A_37] : memref<126048x128xf32, #tpu.memory_space<hbm>> -> memref<126048x128xf32, #tpu.memory_space<hbm>>
    tpu.enqueue_indirect_dma source(%dma_start3A_38 : memref<126048x128xf32, #tpu.memory_space<hbm>>) target(%dma_start3A_33 : memref<128x128xf32, #tpu.memory_space<vmem>>) offsets(%dma_start3A_35 : memref<128xi32, #tpu.memory_space<vmem>>) semaphore(%arg14 : memref<!tpu.dma_semaphore, #tpu.memory_space<semaphore_mem>>)
    %dma_wait3A = arith.constant 0 : i32
    %dma_wait3A_39 = arith.constant 0 : i32
    %dma_wait3A_40 = tpu.memref_slice %arg11[%dma_wait3A, %dma_wait3A_39] : memref<256x128xf32, #tpu.memory_space<vmem>> -> memref<128x128xf32, #tpu.memory_space<vmem>>
    %dma_wait3A_41 = arith.constant 0 : i32
    %dma_wait3A_42 = tpu.memref_slice %arg9[%dma_wait3A_41] : memref<512xi32, #tpu.memory_space<vmem>> -> memref<128xi32, #tpu.memory_space<vmem>>
    %dma_wait3A_43 = arith.constant 0 : i32
    %dma_wait3A_44 = arith.constant 0 : i32
    %dma_wait3A_45 = tpu.memref_slice %arg4[%dma_wait3A_43, %dma_wait3A_44] : memref<126048x128xf32, #tpu.memory_space<hbm>> -> memref<126048x128xf32, #tpu.memory_space<hbm>>
    tpu.wait_indirect_dma semaphore(%arg14 : memref<!tpu.dma_semaphore, #tpu.memory_space<semaphore_mem>>) src(%dma_wait3A_45 : memref<126048x128xf32, #tpu.memory_space<hbm>>) dst(%dma_wait3A_40 : memref<128x128xf32, #tpu.memory_space<vmem>>)
    %dma_wait3A_46 = arith.constant 0 : i32
    %dma_wait3A_47 = arith.constant 0 : i32
    %dma_wait3A_48 = tpu.memref_slice %arg12[%dma_wait3A_46, %dma_wait3A_47] : memref<256x128xf32, #tpu.memory_space<vmem>> -> memref<128x128xf32, #tpu.memory_space<vmem>>
    %dma_wait3A_49 = arith.constant 0 : i32
    %dma_wait3A_50 = tpu.memref_slice %arg10[%dma_wait3A_49] : memref<512xi32, #tpu.memory_space<vmem>> -> memref<128xi32, #tpu.memory_space<vmem>>
    %dma_wait3A_51 = arith.constant 0 : i32
    %dma_wait3A_52 = arith.constant 0 : i32
    %dma_wait3A_53 = tpu.memref_slice %arg5[%dma_wait3A_51, %dma_wait3A_52] : memref<126048x128xf32, #tpu.memory_space<hbm>> -> memref<126048x128xf32, #tpu.memory_space<hbm>>
    tpu.wait_indirect_dma semaphore(%arg14 : memref<!tpu.dma_semaphore, #tpu.memory_space<semaphore_mem>>) src(%dma_wait3A_53 : memref<126048x128xf32, #tpu.memory_space<hbm>>) dst(%dma_wait3A_48 : memref<128x128xf32, #tpu.memory_space<vmem>>)
    %dma_wait3A_54 = arith.constant 128 : i32
    %dma_wait3A_55 = arith.constant 0 : i32
    %dma_wait3A_56 = tpu.memref_slice %arg11[%dma_wait3A_54, %dma_wait3A_55] : memref<256x128xf32, #tpu.memory_space<vmem>> -> memref<128x128xf32, #tpu.memory_space<vmem>>
    %dma_wait3A_57 = arith.constant 128 : i32
    %dma_wait3A_58 = tpu.memref_slice %arg9[%dma_wait3A_57] : memref<512xi32, #tpu.memory_space<vmem>> -> memref<128xi32, #tpu.memory_space<vmem>>
    %dma_wait3A_59 = arith.constant 0 : i32
    %dma_wait3A_60 = arith.constant 0 : i32
    %dma_wait3A_61 = tpu.memref_slice %arg4[%dma_wait3A_59, %dma_wait3A_60] : memref<126048x128xf32, #tpu.memory_space<hbm>> -> memref<126048x128xf32, #tpu.memory_space<hbm>>
    tpu.wait_indirect_dma semaphore(%arg14 : memref<!tpu.dma_semaphore, #tpu.memory_space<semaphore_mem>>) src(%dma_wait3A_61 : memref<126048x128xf32, #tpu.memory_space<hbm>>) dst(%dma_wait3A_56 : memref<128x128xf32, #tpu.memory_space<vmem>>)
    %dma_wait3A_62 = arith.constant 128 : i32
    %dma_wait3A_63 = arith.constant 0 : i32
    %dma_wait3A_64 = tpu.memref_slice %arg12[%dma_wait3A_62, %dma_wait3A_63] : memref<256x128xf32, #tpu.memory_space<vmem>> -> memref<128x128xf32, #tpu.memory_space<vmem>>
    %dma_wait3A_65 = arith.constant 128 : i32
    %dma_wait3A_66 = tpu.memref_slice %arg10[%dma_wait3A_65] : memref<512xi32, #tpu.memory_space<vmem>> -> memref<128xi32, #tpu.memory_space<vmem>>
    %dma_wait3A_67 = arith.constant 0 : i32
    %dma_wait3A_68 = arith.constant 0 : i32
    %dma_wait3A_69 = tpu.memref_slice %arg5[%dma_wait3A_67, %dma_wait3A_68] : memref<126048x128xf32, #tpu.memory_space<hbm>> -> memref<126048x128xf32, #tpu.memory_space<hbm>>
    tpu.wait_indirect_dma semaphore(%arg14 : memref<!tpu.dma_semaphore, #tpu.memory_space<semaphore_mem>>) src(%dma_wait3A_69 : memref<126048x128xf32, #tpu.memory_space<hbm>>) dst(%dma_wait3A_64 : memref<128x128xf32, #tpu.memory_space<vmem>>)
    %scan3A_70 = arith.constant 0 : i32
    %scan3A_71 = arith.constant 0 : i32
    %scan3A_72 = arith.constant 16 : i32
    %scan3A_73 = arith.addi %scan3A_71, %scan3A_72 : i32
    %scan3A_74 = arith.constant 1 : i32
    scf.for %scan3A_146 = %scan3A_71 to %scan3A_73 step %scan3A_74  : i32 {
      %mul3A_147 = arith.constant 16 : i32
      %mul3A_148 = arith.muli %scan3A_146, %mul3A_147 : i32
      %add3A_149 = arith.constant 0 : i32
      %add3A_150 = arith.addi %add3A_149, %mul3A_148 : i32
      %get3A = arith.index_cast %add3A_150 : i32 to index
      %get3A_151 = tpu.vector_load %arg7[%get3A] {strides = array<i32>} : memref<512xi32, #tpu.memory_space<vmem>>, vector<16xi32>,
      %and3A = arith.constant 7 : i32
      %and3A_152 = vector.broadcast %and3A : i32 to vector<16xi32>
      %and3A_153 = arith.andi %get3A_151, %and3A_152 : vector<16xi32>
      %mul3A_154 = arith.constant 16 : i32
      %mul3A_155 = vector.broadcast %mul3A_154 : i32 to vector<16xi32>
      %mul3A_156 = arith.muli %and3A_153, %mul3A_155 : vector<16xi32>
      %get3A_157 = arith.index_cast %add3A_150 : i32 to index
      %get3A_158 = tpu.vector_load %arg8[%get3A_157] {strides = array<i32>} : memref<512xi32, #tpu.memory_space<vmem>>, vector<16xi32>,
      %and3A_159 = arith.constant 7 : i32
      %and3A_160 = vector.broadcast %and3A_159 : i32 to vector<16xi32>
      %and3A_161 = arith.andi %get3A_158, %and3A_160 : vector<16xi32>
      %mul3A_162 = arith.constant 16 : i32
      %mul3A_163 = vector.broadcast %mul3A_162 : i32 to vector<16xi32>
      %mul3A_164 = arith.muli %and3A_161, %mul3A_163 : vector<16xi32>
      %mul3A_165 = arith.constant 16 : i32
      %mul3A_166 = arith.muli %scan3A_146, %mul3A_165 : i32
      %add3A_167 = vector.broadcast %mul3A_166 : i32 to vector<16xi32>
      %add3A_168 = arith.addi %add3A_167, %iota3A : vector<16xi32>
      %broadcast_in_dim3A = arith.constant 0.000000e+00 : f32
      %broadcast_in_dim3A_169 = vector.broadcast %broadcast_in_dim3A : f32 to vector<16xf32>
      %add3A_170 = arith.constant 0 : i32
      %add3A_171 = vector.broadcast %add3A_170 : i32 to vector<16xi32>
      %add3A_172 = arith.addi %mul3A_156, %add3A_171 : vector<16xi32>
      %gather3A = tpu.vector_load_idx %arg11[%add3A_168, %add3A_172] : memref<256x128xf32, #tpu.memory_space<vmem>>[vector<16xi32>, vector<16xi32>], vector<16xf32>,
      %add3A_173 = arith.constant 0 : i32
      %add3A_174 = vector.broadcast %add3A_173 : i32 to vector<16xi32>
      %add3A_175 = arith.addi %mul3A_164, %add3A_174 : vector<16xi32>
      %gather3A_176 = tpu.vector_load_idx %arg12[%add3A_168, %add3A_175] : memref<256x128xf32, #tpu.memory_space<vmem>>[vector<16xi32>, vector<16xi32>], vector<16xf32>,
      %mul3A_177 = arith.mulf %gather3A, %gather3A_176 : vector<16xf32>
      %add3A_178 = arith.addf %broadcast_in_dim3A_169, %mul3A_177 : vector<16xf32>
      %add3A_179 = arith.constant 1 : i32
      %add3A_180 = vector.broadcast %add3A_179 : i32 to vector<16xi32>
      %add3A_181 = arith.addi %mul3A_156, %add3A_180 : vector<16xi32>
      %gather3A_182 = tpu.vector_load_idx %arg11[%add3A_168, %add3A_181] : memref<256x128xf32, #tpu.memory_space<vmem>>[vector<16xi32>, vector<16xi32>], vector<16xf32>,
      %add3A_183 = arith.constant 1 : i32
      %add3A_184 = vector.broadcast %add3A_183 : i32 to vector<16xi32>
      %add3A_185 = arith.addi %mul3A_164, %add3A_184 : vector<16xi32>
      %gather3A_186 = tpu.vector_load_idx %arg12[%add3A_168, %add3A_185] : memref<256x128xf32, #tpu.memory_space<vmem>>[vector<16xi32>, vector<16xi32>], vector<16xf32>,
      %mul3A_187 = arith.mulf %gather3A_182, %gather3A_186 : vector<16xf32>
      %add3A_188 = arith.addf %add3A_178, %mul3A_187 : vector<16xf32>
      %add3A_189 = arith.constant 2 : i32
      %add3A_190 = vector.broadcast %add3A_189 : i32 to vector<16xi32>
      %add3A_191 = arith.addi %mul3A_156, %add3A_190 : vector<16xi32>
      %gather3A_192 = tpu.vector_load_idx %arg11[%add3A_168, %add3A_191] : memref<256x128xf32, #tpu.memory_space<vmem>>[vector<16xi32>, vector<16xi32>], vector<16xf32>,
      %add3A_193 = arith.constant 2 : i32
      %add3A_194 = vector.broadcast %add3A_193 : i32 to vector<16xi32>
      %add3A_195 = arith.addi %mul3A_164, %add3A_194 : vector<16xi32>
      %gather3A_196 = tpu.vector_load_idx %arg12[%add3A_168, %add3A_195] : memref<256x128xf32, #tpu.memory_space<vmem>>[vector<16xi32>, vector<16xi32>], vector<16xf32>,
      %mul3A_197 = arith.mulf %gather3A_192, %gather3A_196 : vector<16xf32>
      %add3A_198 = arith.addf %add3A_188, %mul3A_197 : vector<16xf32>
      %add3A_199 = arith.constant 3 : i32
      %add3A_200 = vector.broadcast %add3A_199 : i32 to vector<16xi32>
      %add3A_201 = arith.addi %mul3A_156, %add3A_200 : vector<16xi32>
      %gather3A_202 = tpu.vector_load_idx %arg11[%add3A_168, %add3A_201] : memref<256x128xf32, #tpu.memory_space<vmem>>[vector<16xi32>, vector<16xi32>], vector<16xf32>,
      %add3A_203 = arith.constant 3 : i32
      %add3A_204 = vector.broadcast %add3A_203 : i32 to vector<16xi32>
      %add3A_205 = arith.addi %mul3A_164, %add3A_204 : vector<16xi32>
      %gather3A_206 = tpu.vector_load_idx %arg12[%add3A_168, %add3A_205] : memref<256x128xf32, #tpu.memory_space<vmem>>[vector<16xi32>, vector<16xi32>], vector<16xf32>,
      %mul3A_207 = arith.mulf %gather3A_202, %gather3A_206 : vector<16xf32>
      %add3A_208 = arith.addf %add3A_198, %mul3A_207 : vector<16xf32>
      %add3A_209 = arith.constant 4 : i32
      %add3A_210 = vector.broadcast %add3A_209 : i32 to vector<16xi32>
      %add3A_211 = arith.addi %mul3A_156, %add3A_210 : vector<16xi32>
      %gather3A_212 = tpu.vector_load_idx %arg11[%add3A_168, %add3A_211] : memref<256x128xf32, #tpu.memory_space<vmem>>[vector<16xi32>, vector<16xi32>], vector<16xf32>,
      %add3A_213 = arith.constant 4 : i32
      %add3A_214 = vector.broadcast %add3A_213 : i32 to vector<16xi32>
      %add3A_215 = arith.addi %mul3A_164, %add3A_214 : vector<16xi32>
      %gather3A_216 = tpu.vector_load_idx %arg12[%add3A_168, %add3A_215] : memref<256x128xf32, #tpu.memory_space<vmem>>[vector<16xi32>, vector<16xi32>], vector<16xf32>,
      %mul3A_217 = arith.mulf %gather3A_212, %gather3A_216 : vector<16xf32>
      %add3A_218 = arith.addf %add3A_208, %mul3A_217 : vector<16xf32>
      %add3A_219 = arith.constant 5 : i32
      %add3A_220 = vector.broadcast %add3A_219 : i32 to vector<16xi32>
      %add3A_221 = arith.addi %mul3A_156, %add3A_220 : vector<16xi32>
      %gather3A_222 = tpu.vector_load_idx %arg11[%add3A_168, %add3A_221] : memref<256x128xf32, #tpu.memory_space<vmem>>[vector<16xi32>, vector<16xi32>], vector<16xf32>,
      %add3A_223 = arith.constant 5 : i32
      %add3A_224 = vector.broadcast %add3A_223 : i32 to vector<16xi32>
      %add3A_225 = arith.addi %mul3A_164, %add3A_224 : vector<16xi32>
      %gather3A_226 = tpu.vector_load_idx %arg12[%add3A_168, %add3A_225] : memref<256x128xf32, #tpu.memory_space<vmem>>[vector<16xi32>, vector<16xi32>], vector<16xf32>,
      %mul3A_227 = arith.mulf %gather3A_222, %gather3A_226 : vector<16xf32>
      %add3A_228 = arith.addf %add3A_218, %mul3A_227 : vector<16xf32>
      %add3A_229 = arith.constant 6 : i32
      %add3A_230 = vector.broadcast %add3A_229 : i32 to vector<16xi32>
      %add3A_231 = arith.addi %mul3A_156, %add3A_230 : vector<16xi32>
      %gather3A_232 = tpu.vector_load_idx %arg11[%add3A_168, %add3A_231] : memref<256x128xf32, #tpu.memory_space<vmem>>[vector<16xi32>, vector<16xi32>], vector<16xf32>,
      %add3A_233 = arith.constant 6 : i32
      %add3A_234 = vector.broadcast %add3A_233 : i32 to vector<16xi32>
      %add3A_235 = arith.addi %mul3A_164, %add3A_234 : vector<16xi32>
      %gather3A_236 = tpu.vector_load_idx %arg12[%add3A_168, %add3A_235] : memref<256x128xf32, #tpu.memory_space<vmem>>[vector<16xi32>, vector<16xi32>], vector<16xf32>,
      %mul3A_237 = arith.mulf %gather3A_232, %gather3A_236 : vector<16xf32>
      %add3A_238 = arith.addf %add3A_228, %mul3A_237 : vector<16xf32>
      %add3A_239 = arith.constant 7 : i32
      %add3A_240 = vector.broadcast %add3A_239 : i32 to vector<16xi32>
      %add3A_241 = arith.addi %mul3A_156, %add3A_240 : vector<16xi32>
      %gather3A_242 = tpu.vector_load_idx %arg11[%add3A_168, %add3A_241] : memref<256x128xf32, #tpu.memory_space<vmem>>[vector<16xi32>, vector<16xi32>], vector<16xf32>,
      %add3A_243 = arith.constant 7 : i32
      %add3A_244 = vector.broadcast %add3A_243 : i32 to vector<16xi32>
      %add3A_245 = arith.addi %mul3A_164, %add3A_244 : vector<16xi32>
      %gather3A_246 = tpu.vector_load_idx %arg12[%add3A_168, %add3A_245] : memref<256x128xf32, #tpu.memory_space<vmem>>[vector<16xi32>, vector<16xi32>], vector<16xf32>,
      %mul3A_247 = arith.mulf %gather3A_242, %gather3A_246 : vector<16xf32>
      %add3A_248 = arith.addf %add3A_238, %mul3A_247 : vector<16xf32>
      %add3A_249 = arith.constant 8 : i32
      %add3A_250 = vector.broadcast %add3A_249 : i32 to vector<16xi32>
      %add3A_251 = arith.addi %mul3A_156, %add3A_250 : vector<16xi32>
      %gather3A_252 = tpu.vector_load_idx %arg11[%add3A_168, %add3A_251] : memref<256x128xf32, #tpu.memory_space<vmem>>[vector<16xi32>, vector<16xi32>], vector<16xf32>,
      %add3A_253 = arith.constant 8 : i32
      %add3A_254 = vector.broadcast %add3A_253 : i32 to vector<16xi32>
      %add3A_255 = arith.addi %mul3A_164, %add3A_254 : vector<16xi32>
      %gather3A_256 = tpu.vector_load_idx %arg12[%add3A_168, %add3A_255] : memref<256x128xf32, #tpu.memory_space<vmem>>[vector<16xi32>, vector<16xi32>], vector<16xf32>,
      %mul3A_257 = arith.mulf %gather3A_252, %gather3A_256 : vector<16xf32>
      %add3A_258 = arith.addf %add3A_248, %mul3A_257 : vector<16xf32>
      %add3A_259 = arith.constant 9 : i32
      %add3A_260 = vector.broadcast %add3A_259 : i32 to vector<16xi32>
      %add3A_261 = arith.addi %mul3A_156, %add3A_260 : vector<16xi32>
      %gather3A_262 = tpu.vector_load_idx %arg11[%add3A_168, %add3A_261] : memref<256x128xf32, #tpu.memory_space<vmem>>[vector<16xi32>, vector<16xi32>], vector<16xf32>,
      %add3A_263 = arith.constant 9 : i32
      %add3A_264 = vector.broadcast %add3A_263 : i32 to vector<16xi32>
      %add3A_265 = arith.addi %mul3A_164, %add3A_264 : vector<16xi32>
      %gather3A_266 = tpu.vector_load_idx %arg12[%add3A_168, %add3A_265] : memref<256x128xf32, #tpu.memory_space<vmem>>[vector<16xi32>, vector<16xi32>], vector<16xf32>,
      %mul3A_267 = arith.mulf %gather3A_262, %gather3A_266 : vector<16xf32>
      %add3A_268 = arith.addf %add3A_258, %mul3A_267 : vector<16xf32>
      %add3A_269 = arith.constant 10 : i32
      %add3A_270 = vector.broadcast %add3A_269 : i32 to vector<16xi32>
      %add3A_271 = arith.addi %mul3A_156, %add3A_270 : vector<16xi32>
      %gather3A_272 = tpu.vector_load_idx %arg11[%add3A_168, %add3A_271] : memref<256x128xf32, #tpu.memory_space<vmem>>[vector<16xi32>, vector<16xi32>], vector<16xf32>,
      %add3A_273 = arith.constant 10 : i32
      %add3A_274 = vector.broadcast %add3A_273 : i32 to vector<16xi32>
      %add3A_275 = arith.addi %mul3A_164, %add3A_274 : vector<16xi32>
      %gather3A_276 = tpu.vector_load_idx %arg12[%add3A_168, %add3A_275] : memref<256x128xf32, #tpu.memory_space<vmem>>[vector<16xi32>, vector<16xi32>], vector<16xf32>,
      %mul3A_277 = arith.mulf %gather3A_272, %gather3A_276 : vector<16xf32>
      %add3A_278 = arith.addf %add3A_268, %mul3A_277 : vector<16xf32>
      %add3A_279 = arith.constant 11 : i32
      %add3A_280 = vector.broadcast %add3A_279 : i32 to vector<16xi32>
      %add3A_281 = arith.addi %mul3A_156, %add3A_280 : vector<16xi32>
      %gather3A_282 = tpu.vector_load_idx %arg11[%add3A_168, %add3A_281] : memref<256x128xf32, #tpu.memory_space<vmem>>[vector<16xi32>, vector<16xi32>], vector<16xf32>,
      %add3A_283 = arith.constant 11 : i32
      %add3A_284 = vector.broadcast %add3A_283 : i32 to vector<16xi32>
      %add3A_285 = arith.addi %mul3A_164, %add3A_284 : vector<16xi32>
      %gather3A_286 = tpu.vector_load_idx %arg12[%add3A_168, %add3A_285] : memref<256x128xf32, #tpu.memory_space<vmem>>[vector<16xi32>, vector<16xi32>], vector<16xf32>,
      %mul3A_287 = arith.mulf %gather3A_282, %gather3A_286 : vector<16xf32>
      %add3A_288 = arith.addf %add3A_278, %mul3A_287 : vector<16xf32>
      %add3A_289 = arith.constant 12 : i32
      %add3A_290 = vector.broadcast %add3A_289 : i32 to vector<16xi32>
      %add3A_291 = arith.addi %mul3A_156, %add3A_290 : vector<16xi32>
      %gather3A_292 = tpu.vector_load_idx %arg11[%add3A_168, %add3A_291] : memref<256x128xf32, #tpu.memory_space<vmem>>[vector<16xi32>, vector<16xi32>], vector<16xf32>,
      %add3A_293 = arith.constant 12 : i32
      %add3A_294 = vector.broadcast %add3A_293 : i32 to vector<16xi32>
      %add3A_295 = arith.addi %mul3A_164, %add3A_294 : vector<16xi32>
      %gather3A_296 = tpu.vector_load_idx %arg12[%add3A_168, %add3A_295] : memref<256x128xf32, #tpu.memory_space<vmem>>[vector<16xi32>, vector<16xi32>], vector<16xf32>,
      %mul3A_297 = arith.mulf %gather3A_292, %gather3A_296 : vector<16xf32>
      %add3A_298 = arith.addf %add3A_288, %mul3A_297 : vector<16xf32>
      %add3A_299 = arith.constant 13 : i32
      %add3A_300 = vector.broadcast %add3A_299 : i32 to vector<16xi32>
      %add3A_301 = arith.addi %mul3A_156, %add3A_300 : vector<16xi32>
      %gather3A_302 = tpu.vector_load_idx %arg11[%add3A_168, %add3A_301] : memref<256x128xf32, #tpu.memory_space<vmem>>[vector<16xi32>, vector<16xi32>], vector<16xf32>,
      %add3A_303 = arith.constant 13 : i32
      %add3A_304 = vector.broadcast %add3A_303 : i32 to vector<16xi32>
      %add3A_305 = arith.addi %mul3A_164, %add3A_304 : vector<16xi32>
      %gather3A_306 = tpu.vector_load_idx %arg12[%add3A_168, %add3A_305] : memref<256x128xf32, #tpu.memory_space<vmem>>[vector<16xi32>, vector<16xi32>], vector<16xf32>,
      %mul3A_307 = arith.mulf %gather3A_302, %gather3A_306 : vector<16xf32>
      %add3A_308 = arith.addf %add3A_298, %mul3A_307 : vector<16xf32>
      %add3A_309 = arith.constant 14 : i32
      %add3A_310 = vector.broadcast %add3A_309 : i32 to vector<16xi32>
      %add3A_311 = arith.addi %mul3A_156, %add3A_310 : vector<16xi32>
      %gather3A_312 = tpu.vector_load_idx %arg11[%add3A_168, %add3A_311] : memref<256x128xf32, #tpu.memory_space<vmem>>[vector<16xi32>, vector<16xi32>], vector<16xf32>,
      %add3A_313 = arith.constant 14 : i32
      %add3A_314 = vector.broadcast %add3A_313 : i32 to vector<16xi32>
      %add3A_315 = arith.addi %mul3A_164, %add3A_314 : vector<16xi32>
      %gather3A_316 = tpu.vector_load_idx %arg12[%add3A_168, %add3A_315] : memref<256x128xf32, #tpu.memory_space<vmem>>[vector<16xi32>, vector<16xi32>], vector<16xf32>,
      %mul3A_317 = arith.mulf %gather3A_312, %gather3A_316 : vector<16xf32>
      %add3A_318 = arith.addf %add3A_308, %mul3A_317 : vector<16xf32>
      %add3A_319 = arith.constant 15 : i32
      %add3A_320 = vector.broadcast %add3A_319 : i32 to vector<16xi32>
      %add3A_321 = arith.addi %mul3A_156, %add3A_320 : vector<16xi32>
      %gather3A_322 = tpu.vector_load_idx %arg11[%add3A_168, %add3A_321] : memref<256x128xf32, #tpu.memory_space<vmem>>[vector<16xi32>, vector<16xi32>], vector<16xf32>,
      %add3A_323 = arith.constant 15 : i32
      %add3A_324 = vector.broadcast %add3A_323 : i32 to vector<16xi32>
      %add3A_325 = arith.addi %mul3A_164, %add3A_324 : vector<16xi32>
      %gather3A_326 = tpu.vector_load_idx %arg12[%add3A_168, %add3A_325] : memref<256x128xf32, #tpu.memory_space<vmem>>[vector<16xi32>, vector<16xi32>], vector<16xf32>,
      %mul3A_327 = arith.mulf %gather3A_322, %gather3A_326 : vector<16xf32>
      %add3A_328 = arith.addf %add3A_318, %mul3A_327 : vector<16xf32>
      %mul3A_329 = arith.constant 16 : i32
      %mul3A_330 = arith.muli %scan3A_146, %mul3A_329 : i32
      %add3A_331 = arith.constant 0 : i32
      %add3A_332 = arith.addi %add3A_331, %mul3A_330 : i32
      %swap3A = arith.index_cast %add3A_332 : i32 to index
      %swap3A_333 = tpu.vector_load %arg13[%swap3A] {strides = array<i32>} : memref<512xf32, #tpu.memory_space<vmem>>, vector<16xf32>,
      tpu.vector_store %arg13[%swap3A], %add3A_328 {strides = array<i32>} : memref<512xf32, #tpu.memory_space<vmem>>, vector<16xf32>,
    }
    %scan3A_75 = arith.constant 16 : i32
    %dma_start3A_76 = arith.constant 0 : i32
    %dma_start3A_77 = arith.constant 0 : i32
    %dma_start3A_78 = tpu.memref_slice %arg11[%dma_start3A_76, %dma_start3A_77] : memref<256x128xf32, #tpu.memory_space<vmem>> -> memref<128x128xf32, #tpu.memory_space<vmem>>
    %dma_start3A_79 = arith.constant 256 : i32
    %dma_start3A_80 = tpu.memref_slice %arg9[%dma_start3A_79] : memref<512xi32, #tpu.memory_space<vmem>> -> memref<128xi32, #tpu.memory_space<vmem>>
    %dma_start3A_81 = arith.constant 0 : i32
    %dma_start3A_82 = arith.constant 0 : i32
    %dma_start3A_83 = tpu.memref_slice %arg4[%dma_start3A_81, %dma_start3A_82] : memref<126048x128xf32, #tpu.memory_space<hbm>> -> memref<126048x128xf32, #tpu.memory_space<hbm>>
    tpu.enqueue_indirect_dma source(%dma_start3A_83 : memref<126048x128xf32, #tpu.memory_space<hbm>>) target(%dma_start3A_78 : memref<128x128xf32, #tpu.memory_space<vmem>>) offsets(%dma_start3A_80 : memref<128xi32, #tpu.memory_space<vmem>>) semaphore(%arg14 : memref<!tpu.dma_semaphore, #tpu.memory_space<semaphore_mem>>)
    %dma_start3A_84 = arith.constant 0 : i32
    %dma_start3A_85 = arith.constant 0 : i32
    %dma_start3A_86 = tpu.memref_slice %arg12[%dma_start3A_84, %dma_start3A_85] : memref<256x128xf32, #tpu.memory_space<vmem>> -> memref<128x128xf32, #tpu.memory_space<vmem>>
    %dma_start3A_87 = arith.constant 256 : i32
    %dma_start3A_88 = tpu.memref_slice %arg10[%dma_start3A_87] : memref<512xi32, #tpu.memory_space<vmem>> -> memref<128xi32, #tpu.memory_space<vmem>>
    %dma_start3A_89 = arith.constant 0 : i32
    %dma_start3A_90 = arith.constant 0 : i32
    %dma_start3A_91 = tpu.memref_slice %arg5[%dma_start3A_89, %dma_start3A_90] : memref<126048x128xf32, #tpu.memory_space<hbm>> -> memref<126048x128xf32, #tpu.memory_space<hbm>>
    tpu.enqueue_indirect_dma source(%dma_start3A_91 : memref<126048x128xf32, #tpu.memory_space<hbm>>) target(%dma_start3A_86 : memref<128x128xf32, #tpu.memory_space<vmem>>) offsets(%dma_start3A_88 : memref<128xi32, #tpu.memory_space<vmem>>) semaphore(%arg14 : memref<!tpu.dma_semaphore, #tpu.memory_space<semaphore_mem>>)
    %dma_start3A_92 = arith.constant 128 : i32
    %dma_start3A_93 = arith.constant 0 : i32
    %dma_start3A_94 = tpu.memref_slice %arg11[%dma_start3A_92, %dma_start3A_93] : memref<256x128xf32, #tpu.memory_space<vmem>> -> memref<128x128xf32, #tpu.memory_space<vmem>>
    %dma_start3A_95 = arith.constant 384 : i32
    %dma_start3A_96 = tpu.memref_slice %arg9[%dma_start3A_95] : memref<512xi32, #tpu.memory_space<vmem>> -> memref<128xi32, #tpu.memory_space<vmem>>
    %dma_start3A_97 = arith.constant 0 : i32
    %dma_start3A_98 = arith.constant 0 : i32
    %dma_start3A_99 = tpu.memref_slice %arg4[%dma_start3A_97, %dma_start3A_98] : memref<126048x128xf32, #tpu.memory_space<hbm>> -> memref<126048x128xf32, #tpu.memory_space<hbm>>
    tpu.enqueue_indirect_dma source(%dma_start3A_99 : memref<126048x128xf32, #tpu.memory_space<hbm>>) target(%dma_start3A_94 : memref<128x128xf32, #tpu.memory_space<vmem>>) offsets(%dma_start3A_96 : memref<128xi32, #tpu.memory_space<vmem>>) semaphore(%arg14 : memref<!tpu.dma_semaphore, #tpu.memory_space<semaphore_mem>>)
    %dma_start3A_100 = arith.constant 128 : i32
    %dma_start3A_101 = arith.constant 0 : i32
    %dma_start3A_102 = tpu.memref_slice %arg12[%dma_start3A_100, %dma_start3A_101] : memref<256x128xf32, #tpu.memory_space<vmem>> -> memref<128x128xf32, #tpu.memory_space<vmem>>
    %dma_start3A_103 = arith.constant 384 : i32
    %dma_start3A_104 = tpu.memref_slice %arg10[%dma_start3A_103] : memref<512xi32, #tpu.memory_space<vmem>> -> memref<128xi32, #tpu.memory_space<vmem>>
    %dma_start3A_105 = arith.constant 0 : i32
    %dma_start3A_106 = arith.constant 0 : i32
    %dma_start3A_107 = tpu.memref_slice %arg5[%dma_start3A_105, %dma_start3A_106] : memref<126048x128xf32, #tpu.memory_space<hbm>> -> memref<126048x128xf32, #tpu.memory_space<hbm>>
    tpu.enqueue_indirect_dma source(%dma_start3A_107 : memref<126048x128xf32, #tpu.memory_space<hbm>>) target(%dma_start3A_102 : memref<128x128xf32, #tpu.memory_space<vmem>>) offsets(%dma_start3A_104 : memref<128xi32, #tpu.memory_space<vmem>>) semaphore(%arg14 : memref<!tpu.dma_semaphore, #tpu.memory_space<semaphore_mem>>)
    %dma_wait3A_108 = arith.constant 0 : i32
    %dma_wait3A_109 = arith.constant 0 : i32
    %dma_wait3A_110 = tpu.memref_slice %arg11[%dma_wait3A_108, %dma_wait3A_109] : memref<256x128xf32, #tpu.memory_space<vmem>> -> memref<128x128xf32, #tpu.memory_space<vmem>>
    %dma_wait3A_111 = arith.constant 256 : i32
    %dma_wait3A_112 = tpu.memref_slice %arg9[%dma_wait3A_111] : memref<512xi32, #tpu.memory_space<vmem>> -> memref<128xi32, #tpu.memory_space<vmem>>
    %dma_wait3A_113 = arith.constant 0 : i32
    %dma_wait3A_114 = arith.constant 0 : i32
    %dma_wait3A_115 = tpu.memref_slice %arg4[%dma_wait3A_113, %dma_wait3A_114] : memref<126048x128xf32, #tpu.memory_space<hbm>> -> memref<126048x128xf32, #tpu.memory_space<hbm>>
    tpu.wait_indirect_dma semaphore(%arg14 : memref<!tpu.dma_semaphore, #tpu.memory_space<semaphore_mem>>) src(%dma_wait3A_115 : memref<126048x128xf32, #tpu.memory_space<hbm>>) dst(%dma_wait3A_110 : memref<128x128xf32, #tpu.memory_space<vmem>>)
    %dma_wait3A_116 = arith.constant 0 : i32
    %dma_wait3A_117 = arith.constant 0 : i32
    %dma_wait3A_118 = tpu.memref_slice %arg12[%dma_wait3A_116, %dma_wait3A_117] : memref<256x128xf32, #tpu.memory_space<vmem>> -> memref<128x128xf32, #tpu.memory_space<vmem>>
    %dma_wait3A_119 = arith.constant 256 : i32
    %dma_wait3A_120 = tpu.memref_slice %arg10[%dma_wait3A_119] : memref<512xi32, #tpu.memory_space<vmem>> -> memref<128xi32, #tpu.memory_space<vmem>>
    %dma_wait3A_121 = arith.constant 0 : i32
    %dma_wait3A_122 = arith.constant 0 : i32
    %dma_wait3A_123 = tpu.memref_slice %arg5[%dma_wait3A_121, %dma_wait3A_122] : memref<126048x128xf32, #tpu.memory_space<hbm>> -> memref<126048x128xf32, #tpu.memory_space<hbm>>
    tpu.wait_indirect_dma semaphore(%arg14 : memref<!tpu.dma_semaphore, #tpu.memory_space<semaphore_mem>>) src(%dma_wait3A_123 : memref<126048x128xf32, #tpu.memory_space<hbm>>) dst(%dma_wait3A_118 : memref<128x128xf32, #tpu.memory_space<vmem>>)
    %dma_wait3A_124 = arith.constant 128 : i32
    %dma_wait3A_125 = arith.constant 0 : i32
    %dma_wait3A_126 = tpu.memref_slice %arg11[%dma_wait3A_124, %dma_wait3A_125] : memref<256x128xf32, #tpu.memory_space<vmem>> -> memref<128x128xf32, #tpu.memory_space<vmem>>
    %dma_wait3A_127 = arith.constant 384 : i32
    %dma_wait3A_128 = tpu.memref_slice %arg9[%dma_wait3A_127] : memref<512xi32, #tpu.memory_space<vmem>> -> memref<128xi32, #tpu.memory_space<vmem>>
    %dma_wait3A_129 = arith.constant 0 : i32
    %dma_wait3A_130 = arith.constant 0 : i32
    %dma_wait3A_131 = tpu.memref_slice %arg4[%dma_wait3A_129, %dma_wait3A_130] : memref<126048x128xf32, #tpu.memory_space<hbm>> -> memref<126048x128xf32, #tpu.memory_space<hbm>>
    tpu.wait_indirect_dma semaphore(%arg14 : memref<!tpu.dma_semaphore, #tpu.memory_space<semaphore_mem>>) src(%dma_wait3A_131 : memref<126048x128xf32, #tpu.memory_space<hbm>>) dst(%dma_wait3A_126 : memref<128x128xf32, #tpu.memory_space<vmem>>)
    %dma_wait3A_132 = arith.constant 128 : i32
    %dma_wait3A_133 = arith.constant 0 : i32
    %dma_wait3A_134 = tpu.memref_slice %arg12[%dma_wait3A_132, %dma_wait3A_133] : memref<256x128xf32, #tpu.memory_space<vmem>> -> memref<128x128xf32, #tpu.memory_space<vmem>>
    %dma_wait3A_135 = arith.constant 384 : i32
    %dma_wait3A_136 = tpu.memref_slice %arg10[%dma_wait3A_135] : memref<512xi32, #tpu.memory_space<vmem>> -> memref<128xi32, #tpu.memory_space<vmem>>
    %dma_wait3A_137 = arith.constant 0 : i32
    %dma_wait3A_138 = arith.constant 0 : i32
    %dma_wait3A_139 = tpu.memref_slice %arg5[%dma_wait3A_137, %dma_wait3A_138] : memref<126048x128xf32, #tpu.memory_space<hbm>> -> memref<126048x128xf32, #tpu.memory_space<hbm>>
    tpu.wait_indirect_dma semaphore(%arg14 : memref<!tpu.dma_semaphore, #tpu.memory_space<semaphore_mem>>) src(%dma_wait3A_139 : memref<126048x128xf32, #tpu.memory_space<hbm>>) dst(%dma_wait3A_134 : memref<128x128xf32, #tpu.memory_space<vmem>>)
    %scan3A_140 = arith.constant 0 : i32
    %scan3A_141 = arith.constant 0 : i32
    %scan3A_142 = arith.constant 16 : i32
    %scan3A_143 = arith.addi %scan3A_141, %scan3A_142 : i32
    %scan3A_144 = arith.constant 1 : i32
    scf.for %scan3A_146 = %scan3A_141 to %scan3A_143 step %scan3A_144  : i32 {
      %mul3A_147 = arith.constant 16 : i32
      %mul3A_148 = arith.muli %scan3A_146, %mul3A_147 : i32
      %add3A_149 = arith.constant 256 : i32
      %add3A_150 = arith.addi %add3A_149, %mul3A_148 : i32
      %get3A = arith.index_cast %add3A_150 : i32 to index
      %get3A_151 = tpu.vector_load %arg7[%get3A] {strides = array<i32>} : memref<512xi32, #tpu.memory_space<vmem>>, vector<16xi32>,
      %and3A = arith.constant 7 : i32
      %and3A_152 = vector.broadcast %and3A : i32 to vector<16xi32>
      %and3A_153 = arith.andi %get3A_151, %and3A_152 : vector<16xi32>
      %mul3A_154 = arith.constant 16 : i32
      %mul3A_155 = vector.broadcast %mul3A_154 : i32 to vector<16xi32>
      %mul3A_156 = arith.muli %and3A_153, %mul3A_155 : vector<16xi32>
      %get3A_157 = arith.index_cast %add3A_150 : i32 to index
      %get3A_158 = tpu.vector_load %arg8[%get3A_157] {strides = array<i32>} : memref<512xi32, #tpu.memory_space<vmem>>, vector<16xi32>,
      %and3A_159 = arith.constant 7 : i32
      %and3A_160 = vector.broadcast %and3A_159 : i32 to vector<16xi32>
      %and3A_161 = arith.andi %get3A_158, %and3A_160 : vector<16xi32>
      %mul3A_162 = arith.constant 16 : i32
      %mul3A_163 = vector.broadcast %mul3A_162 : i32 to vector<16xi32>
      %mul3A_164 = arith.muli %and3A_161, %mul3A_163 : vector<16xi32>
      %mul3A_165 = arith.constant 16 : i32
      %mul3A_166 = arith.muli %scan3A_146, %mul3A_165 : i32
      %add3A_167 = vector.broadcast %mul3A_166 : i32 to vector<16xi32>
      %add3A_168 = arith.addi %add3A_167, %iota3A : vector<16xi32>
      %broadcast_in_dim3A = arith.constant 0.000000e+00 : f32
      %broadcast_in_dim3A_169 = vector.broadcast %broadcast_in_dim3A : f32 to vector<16xf32>
      %add3A_170 = arith.constant 0 : i32
      %add3A_171 = vector.broadcast %add3A_170 : i32 to vector<16xi32>
      %add3A_172 = arith.addi %mul3A_156, %add3A_171 : vector<16xi32>
      %gather3A = tpu.vector_load_idx %arg11[%add3A_168, %add3A_172] : memref<256x128xf32, #tpu.memory_space<vmem>>[vector<16xi32>, vector<16xi32>], vector<16xf32>,
      %add3A_173 = arith.constant 0 : i32
      %add3A_174 = vector.broadcast %add3A_173 : i32 to vector<16xi32>
      %add3A_175 = arith.addi %mul3A_164, %add3A_174 : vector<16xi32>
      %gather3A_176 = tpu.vector_load_idx %arg12[%add3A_168, %add3A_175] : memref<256x128xf32, #tpu.memory_space<vmem>>[vector<16xi32>, vector<16xi32>], vector<16xf32>,
      %mul3A_177 = arith.mulf %gather3A, %gather3A_176 : vector<16xf32>
      %add3A_178 = arith.addf %broadcast_in_dim3A_169, %mul3A_177 : vector<16xf32>
      %add3A_179 = arith.constant 1 : i32
      %add3A_180 = vector.broadcast %add3A_179 : i32 to vector<16xi32>
      %add3A_181 = arith.addi %mul3A_156, %add3A_180 : vector<16xi32>
      %gather3A_182 = tpu.vector_load_idx %arg11[%add3A_168, %add3A_181] : memref<256x128xf32, #tpu.memory_space<vmem>>[vector<16xi32>, vector<16xi32>], vector<16xf32>,
      %add3A_183 = arith.constant 1 : i32
      %add3A_184 = vector.broadcast %add3A_183 : i32 to vector<16xi32>
      %add3A_185 = arith.addi %mul3A_164, %add3A_184 : vector<16xi32>
      %gather3A_186 = tpu.vector_load_idx %arg12[%add3A_168, %add3A_185] : memref<256x128xf32, #tpu.memory_space<vmem>>[vector<16xi32>, vector<16xi32>], vector<16xf32>,
      %mul3A_187 = arith.mulf %gather3A_182, %gather3A_186 : vector<16xf32>
      %add3A_188 = arith.addf %add3A_178, %mul3A_187 : vector<16xf32>
      %add3A_189 = arith.constant 2 : i32
      %add3A_190 = vector.broadcast %add3A_189 : i32 to vector<16xi32>
      %add3A_191 = arith.addi %mul3A_156, %add3A_190 : vector<16xi32>
      %gather3A_192 = tpu.vector_load_idx %arg11[%add3A_168, %add3A_191] : memref<256x128xf32, #tpu.memory_space<vmem>>[vector<16xi32>, vector<16xi32>], vector<16xf32>,
      %add3A_193 = arith.constant 2 : i32
      %add3A_194 = vector.broadcast %add3A_193 : i32 to vector<16xi32>
      %add3A_195 = arith.addi %mul3A_164, %add3A_194 : vector<16xi32>
      %gather3A_196 = tpu.vector_load_idx %arg12[%add3A_168, %add3A_195] : memref<256x128xf32, #tpu.memory_space<vmem>>[vector<16xi32>, vector<16xi32>], vector<16xf32>,
      %mul3A_197 = arith.mulf %gather3A_192, %gather3A_196 : vector<16xf32>
      %add3A_198 = arith.addf %add3A_188, %mul3A_197 : vector<16xf32>
      %add3A_199 = arith.constant 3 : i32
      %add3A_200 = vector.broadcast %add3A_199 : i32 to vector<16xi32>
      %add3A_201 = arith.addi %mul3A_156, %add3A_200 : vector<16xi32>
      %gather3A_202 = tpu.vector_load_idx %arg11[%add3A_168, %add3A_201] : memref<256x128xf32, #tpu.memory_space<vmem>>[vector<16xi32>, vector<16xi32>], vector<16xf32>,
      %add3A_203 = arith.constant 3 : i32
      %add3A_204 = vector.broadcast %add3A_203 : i32 to vector<16xi32>
      %add3A_205 = arith.addi %mul3A_164, %add3A_204 : vector<16xi32>
      %gather3A_206 = tpu.vector_load_idx %arg12[%add3A_168, %add3A_205] : memref<256x128xf32, #tpu.memory_space<vmem>>[vector<16xi32>, vector<16xi32>], vector<16xf32>,
      %mul3A_207 = arith.mulf %gather3A_202, %gather3A_206 : vector<16xf32>
      %add3A_208 = arith.addf %add3A_198, %mul3A_207 : vector<16xf32>
      %add3A_209 = arith.constant 4 : i32
      %add3A_210 = vector.broadcast %add3A_209 : i32 to vector<16xi32>
      %add3A_211 = arith.addi %mul3A_156, %add3A_210 : vector<16xi32>
      %gather3A_212 = tpu.vector_load_idx %arg11[%add3A_168, %add3A_211] : memref<256x128xf32, #tpu.memory_space<vmem>>[vector<16xi32>, vector<16xi32>], vector<16xf32>,
      %add3A_213 = arith.constant 4 : i32
      %add3A_214 = vector.broadcast %add3A_213 : i32 to vector<16xi32>
      %add3A_215 = arith.addi %mul3A_164, %add3A_214 : vector<16xi32>
      %gather3A_216 = tpu.vector_load_idx %arg12[%add3A_168, %add3A_215] : memref<256x128xf32, #tpu.memory_space<vmem>>[vector<16xi32>, vector<16xi32>], vector<16xf32>,
      %mul3A_217 = arith.mulf %gather3A_212, %gather3A_216 : vector<16xf32>
      %add3A_218 = arith.addf %add3A_208, %mul3A_217 : vector<16xf32>
      %add3A_219 = arith.constant 5 : i32
      %add3A_220 = vector.broadcast %add3A_219 : i32 to vector<16xi32>
      %add3A_221 = arith.addi %mul3A_156, %add3A_220 : vector<16xi32>
      %gather3A_222 = tpu.vector_load_idx %arg11[%add3A_168, %add3A_221] : memref<256x128xf32, #tpu.memory_space<vmem>>[vector<16xi32>, vector<16xi32>], vector<16xf32>,
      %add3A_223 = arith.constant 5 : i32
      %add3A_224 = vector.broadcast %add3A_223 : i32 to vector<16xi32>
      %add3A_225 = arith.addi %mul3A_164, %add3A_224 : vector<16xi32>
      %gather3A_226 = tpu.vector_load_idx %arg12[%add3A_168, %add3A_225] : memref<256x128xf32, #tpu.memory_space<vmem>>[vector<16xi32>, vector<16xi32>], vector<16xf32>,
      %mul3A_227 = arith.mulf %gather3A_222, %gather3A_226 : vector<16xf32>
      %add3A_228 = arith.addf %add3A_218, %mul3A_227 : vector<16xf32>
      %add3A_229 = arith.constant 6 : i32
      %add3A_230 = vector.broadcast %add3A_229 : i32 to vector<16xi32>
      %add3A_231 = arith.addi %mul3A_156, %add3A_230 : vector<16xi32>
      %gather3A_232 = tpu.vector_load_idx %arg11[%add3A_168, %add3A_231] : memref<256x128xf32, #tpu.memory_space<vmem>>[vector<16xi32>, vector<16xi32>], vector<16xf32>,
      %add3A_233 = arith.constant 6 : i32
      %add3A_234 = vector.broadcast %add3A_233 : i32 to vector<16xi32>
      %add3A_235 = arith.addi %mul3A_164, %add3A_234 : vector<16xi32>
      %gather3A_236 = tpu.vector_load_idx %arg12[%add3A_168, %add3A_235] : memref<256x128xf32, #tpu.memory_space<vmem>>[vector<16xi32>, vector<16xi32>], vector<16xf32>,
      %mul3A_237 = arith.mulf %gather3A_232, %gather3A_236 : vector<16xf32>
      %add3A_238 = arith.addf %add3A_228, %mul3A_237 : vector<16xf32>
      %add3A_239 = arith.constant 7 : i32
      %add3A_240 = vector.broadcast %add3A_239 : i32 to vector<16xi32>
      %add3A_241 = arith.addi %mul3A_156, %add3A_240 : vector<16xi32>
      %gather3A_242 = tpu.vector_load_idx %arg11[%add3A_168, %add3A_241] : memref<256x128xf32, #tpu.memory_space<vmem>>[vector<16xi32>, vector<16xi32>], vector<16xf32>,
      %add3A_243 = arith.constant 7 : i32
      %add3A_244 = vector.broadcast %add3A_243 : i32 to vector<16xi32>
      %add3A_245 = arith.addi %mul3A_164, %add3A_244 : vector<16xi32>
      %gather3A_246 = tpu.vector_load_idx %arg12[%add3A_168, %add3A_245] : memref<256x128xf32, #tpu.memory_space<vmem>>[vector<16xi32>, vector<16xi32>], vector<16xf32>,
      %mul3A_247 = arith.mulf %gather3A_242, %gather3A_246 : vector<16xf32>
      %add3A_248 = arith.addf %add3A_238, %mul3A_247 : vector<16xf32>
      %add3A_249 = arith.constant 8 : i32
      %add3A_250 = vector.broadcast %add3A_249 : i32 to vector<16xi32>
      %add3A_251 = arith.addi %mul3A_156, %add3A_250 : vector<16xi32>
      %gather3A_252 = tpu.vector_load_idx %arg11[%add3A_168, %add3A_251] : memref<256x128xf32, #tpu.memory_space<vmem>>[vector<16xi32>, vector<16xi32>], vector<16xf32>,
      %add3A_253 = arith.constant 8 : i32
      %add3A_254 = vector.broadcast %add3A_253 : i32 to vector<16xi32>
      %add3A_255 = arith.addi %mul3A_164, %add3A_254 : vector<16xi32>
      %gather3A_256 = tpu.vector_load_idx %arg12[%add3A_168, %add3A_255] : memref<256x128xf32, #tpu.memory_space<vmem>>[vector<16xi32>, vector<16xi32>], vector<16xf32>,
      %mul3A_257 = arith.mulf %gather3A_252, %gather3A_256 : vector<16xf32>
      %add3A_258 = arith.addf %add3A_248, %mul3A_257 : vector<16xf32>
      %add3A_259 = arith.constant 9 : i32
      %add3A_260 = vector.broadcast %add3A_259 : i32 to vector<16xi32>
      %add3A_261 = arith.addi %mul3A_156, %add3A_260 : vector<16xi32>
      %gather3A_262 = tpu.vector_load_idx %arg11[%add3A_168, %add3A_261] : memref<256x128xf32, #tpu.memory_space<vmem>>[vector<16xi32>, vector<16xi32>], vector<16xf32>,
      %add3A_263 = arith.constant 9 : i32
      %add3A_264 = vector.broadcast %add3A_263 : i32 to vector<16xi32>
      %add3A_265 = arith.addi %mul3A_164, %add3A_264 : vector<16xi32>
      %gather3A_266 = tpu.vector_load_idx %arg12[%add3A_168, %add3A_265] : memref<256x128xf32, #tpu.memory_space<vmem>>[vector<16xi32>, vector<16xi32>], vector<16xf32>,
      %mul3A_267 = arith.mulf %gather3A_262, %gather3A_266 : vector<16xf32>
      %add3A_268 = arith.addf %add3A_258, %mul3A_267 : vector<16xf32>
      %add3A_269 = arith.constant 10 : i32
      %add3A_270 = vector.broadcast %add3A_269 : i32 to vector<16xi32>
      %add3A_271 = arith.addi %mul3A_156, %add3A_270 : vector<16xi32>
      %gather3A_272 = tpu.vector_load_idx %arg11[%add3A_168, %add3A_271] : memref<256x128xf32, #tpu.memory_space<vmem>>[vector<16xi32>, vector<16xi32>], vector<16xf32>,
      %add3A_273 = arith.constant 10 : i32
      %add3A_274 = vector.broadcast %add3A_273 : i32 to vector<16xi32>
      %add3A_275 = arith.addi %mul3A_164, %add3A_274 : vector<16xi32>
      %gather3A_276 = tpu.vector_load_idx %arg12[%add3A_168, %add3A_275] : memref<256x128xf32, #tpu.memory_space<vmem>>[vector<16xi32>, vector<16xi32>], vector<16xf32>,
      %mul3A_277 = arith.mulf %gather3A_272, %gather3A_276 : vector<16xf32>
      %add3A_278 = arith.addf %add3A_268, %mul3A_277 : vector<16xf32>
      %add3A_279 = arith.constant 11 : i32
      %add3A_280 = vector.broadcast %add3A_279 : i32 to vector<16xi32>
      %add3A_281 = arith.addi %mul3A_156, %add3A_280 : vector<16xi32>
      %gather3A_282 = tpu.vector_load_idx %arg11[%add3A_168, %add3A_281] : memref<256x128xf32, #tpu.memory_space<vmem>>[vector<16xi32>, vector<16xi32>], vector<16xf32>,
      %add3A_283 = arith.constant 11 : i32
      %add3A_284 = vector.broadcast %add3A_283 : i32 to vector<16xi32>
      %add3A_285 = arith.addi %mul3A_164, %add3A_284 : vector<16xi32>
      %gather3A_286 = tpu.vector_load_idx %arg12[%add3A_168, %add3A_285] : memref<256x128xf32, #tpu.memory_space<vmem>>[vector<16xi32>, vector<16xi32>], vector<16xf32>,
      %mul3A_287 = arith.mulf %gather3A_282, %gather3A_286 : vector<16xf32>
      %add3A_288 = arith.addf %add3A_278, %mul3A_287 : vector<16xf32>
      %add3A_289 = arith.constant 12 : i32
      %add3A_290 = vector.broadcast %add3A_289 : i32 to vector<16xi32>
      %add3A_291 = arith.addi %mul3A_156, %add3A_290 : vector<16xi32>
      %gather3A_292 = tpu.vector_load_idx %arg11[%add3A_168, %add3A_291] : memref<256x128xf32, #tpu.memory_space<vmem>>[vector<16xi32>, vector<16xi32>], vector<16xf32>,
      %add3A_293 = arith.constant 12 : i32
      %add3A_294 = vector.broadcast %add3A_293 : i32 to vector<16xi32>
      %add3A_295 = arith.addi %mul3A_164, %add3A_294 : vector<16xi32>
      %gather3A_296 = tpu.vector_load_idx %arg12[%add3A_168, %add3A_295] : memref<256x128xf32, #tpu.memory_space<vmem>>[vector<16xi32>, vector<16xi32>], vector<16xf32>,
      %mul3A_297 = arith.mulf %gather3A_292, %gather3A_296 : vector<16xf32>
      %add3A_298 = arith.addf %add3A_288, %mul3A_297 : vector<16xf32>
      %add3A_299 = arith.constant 13 : i32
      %add3A_300 = vector.broadcast %add3A_299 : i32 to vector<16xi32>
      %add3A_301 = arith.addi %mul3A_156, %add3A_300 : vector<16xi32>
      %gather3A_302 = tpu.vector_load_idx %arg11[%add3A_168, %add3A_301] : memref<256x128xf32, #tpu.memory_space<vmem>>[vector<16xi32>, vector<16xi32>], vector<16xf32>,
      %add3A_303 = arith.constant 13 : i32
      %add3A_304 = vector.broadcast %add3A_303 : i32 to vector<16xi32>
      %add3A_305 = arith.addi %mul3A_164, %add3A_304 : vector<16xi32>
      %gather3A_306 = tpu.vector_load_idx %arg12[%add3A_168, %add3A_305] : memref<256x128xf32, #tpu.memory_space<vmem>>[vector<16xi32>, vector<16xi32>], vector<16xf32>,
      %mul3A_307 = arith.mulf %gather3A_302, %gather3A_306 : vector<16xf32>
      %add3A_308 = arith.addf %add3A_298, %mul3A_307 : vector<16xf32>
      %add3A_309 = arith.constant 14 : i32
      %add3A_310 = vector.broadcast %add3A_309 : i32 to vector<16xi32>
      %add3A_311 = arith.addi %mul3A_156, %add3A_310 : vector<16xi32>
      %gather3A_312 = tpu.vector_load_idx %arg11[%add3A_168, %add3A_311] : memref<256x128xf32, #tpu.memory_space<vmem>>[vector<16xi32>, vector<16xi32>], vector<16xf32>,
      %add3A_313 = arith.constant 14 : i32
      %add3A_314 = vector.broadcast %add3A_313 : i32 to vector<16xi32>
      %add3A_315 = arith.addi %mul3A_164, %add3A_314 : vector<16xi32>
      %gather3A_316 = tpu.vector_load_idx %arg12[%add3A_168, %add3A_315] : memref<256x128xf32, #tpu.memory_space<vmem>>[vector<16xi32>, vector<16xi32>], vector<16xf32>,
      %mul3A_317 = arith.mulf %gather3A_312, %gather3A_316 : vector<16xf32>
      %add3A_318 = arith.addf %add3A_308, %mul3A_317 : vector<16xf32>
      %add3A_319 = arith.constant 15 : i32
      %add3A_320 = vector.broadcast %add3A_319 : i32 to vector<16xi32>
      %add3A_321 = arith.addi %mul3A_156, %add3A_320 : vector<16xi32>
      %gather3A_322 = tpu.vector_load_idx %arg11[%add3A_168, %add3A_321] : memref<256x128xf32, #tpu.memory_space<vmem>>[vector<16xi32>, vector<16xi32>], vector<16xf32>,
      %add3A_323 = arith.constant 15 : i32
      %add3A_324 = vector.broadcast %add3A_323 : i32 to vector<16xi32>
      %add3A_325 = arith.addi %mul3A_164, %add3A_324 : vector<16xi32>
      %gather3A_326 = tpu.vector_load_idx %arg12[%add3A_168, %add3A_325] : memref<256x128xf32, #tpu.memory_space<vmem>>[vector<16xi32>, vector<16xi32>], vector<16xf32>,
      %mul3A_327 = arith.mulf %gather3A_322, %gather3A_326 : vector<16xf32>
      %add3A_328 = arith.addf %add3A_318, %mul3A_327 : vector<16xf32>
      %mul3A_329 = arith.constant 16 : i32
      %mul3A_330 = arith.muli %scan3A_146, %mul3A_329 : i32
      %add3A_331 = arith.constant 256 : i32
      %add3A_332 = arith.addi %add3A_331, %mul3A_330 : i32
      %swap3A = arith.index_cast %add3A_332 : i32 to index
      %swap3A_333 = tpu.vector_load %arg13[%swap3A] {strides = array<i32>} : memref<512xf32, #tpu.memory_space<vmem>>, vector<16xf32>,
      tpu.vector_store %arg13[%swap3A], %add3A_328 {strides = array<i32>} : memref<512xf32, #tpu.memory_space<vmem>>, vector<16xf32>,
    }
    %scan3A_145 = arith.constant 16 : i32
    "tpu.region"() ({
      %run_scoped3A = tpu.sem_alloc : memref<!tpu.dma_semaphore, #tpu.memory_space<semaphore_mem>>
      %dma_start3A_146 = tpu.memref_slice %arg6[%mul3A_2] : memref<16384xf32, #tpu.memory_space<hbm>> -> memref<512xf32, #tpu.memory_space<hbm>>
      %dma_start3A_147 = tpu.memref_slice %arg6[%mul3A_2] : memref<16384xf32, #tpu.memory_space<hbm>> -> memref<512xf32, #tpu.memory_space<hbm>>
      tpu.enqueue_dma source(%arg13 : memref<512xf32, #tpu.memory_space<vmem>>) target(%dma_start3A_147 : memref<512xf32, #tpu.memory_space<hbm>>) target_semaphore(%run_scoped3A : memref<!tpu.dma_semaphore, #tpu.memory_space<semaphore_mem>>)
      %dma_wait3A_148 = tpu.memref_slice %arg6[%mul3A_2] : memref<16384xf32, #tpu.memory_space<hbm>> -> memref<512xf32, #tpu.memory_space<hbm>>
      %dma_wait3A_149 = tpu.memref_slice %arg6[%mul3A_2] : memref<16384xf32, #tpu.memory_space<hbm>> -> memref<512xf32, #tpu.memory_space<hbm>>
      tpu.wait_dma2 semaphore(%run_scoped3A : memref<!tpu.dma_semaphore, #tpu.memory_space<semaphore_mem>>) src(%arg13 : memref<512xf32, #tpu.memory_space<vmem>>) dst(%dma_wait3A_149 : memref<512xf32, #tpu.memory_space<hbm>>)
      tpu.yield
    }) : () -> ()
    return
  }
}

module attributes {stable_mosaic.version = 14 : i64} {
  func.func @_repack_body(%arg0: i32, %arg1: memref<16x9984xf32, #tpu.memory_space<vmem>>, %arg2: memref<1248x128xf32, #tpu.memory_space<vmem>>) attributes {dimension_semantics = [#tpu.dimension_semantics<arbitrary>], iteration_bounds = array<i64: 101>, scalar_prefetch = 0 : i64, scratch_operands = 0 : i64, tpu.core_type = #tpu.core_type<tc>, window_params = [{transform_indices = @transform_0, window_bounds = array<i64: 16, 9984>}, {transform_indices = @transform_1, window_bounds = array<i64: 1248, 128>}]} {
    %get3A = arith.constant 0 : index
    %get3A_0 = arith.constant 0 : index
    %get3A_1 = vector.load %arg1[%get3A, %get3A_0] : memref<16x9984xf32, #tpu.memory_space<vmem>>, vector<16x9984xf32>
    %transpose3A = tpu.transpose %get3A_1, [1, 0] : vector<16x9984xf32> -> vector<9984x16xf32>
    %reshape3A = vector.shape_cast %transpose3A : vector<9984x16xf32> to vector<1248x8x16xf32>
    %slice3A = vector.extract_strided_slice %reshape3A {offsets = [0, 0, 0], sizes = [1248, 1, 16], strides = [1, 1, 1]} : vector<1248x8x16xf32> to vector<1248x1x16xf32>
    %squeeze3A = vector.shape_cast %slice3A : vector<1248x1x16xf32> to vector<1248x16xf32>
    %slice3A_2 = vector.extract_strided_slice %reshape3A {offsets = [0, 1, 0], sizes = [1248, 1, 16], strides = [1, 1, 1]} : vector<1248x8x16xf32> to vector<1248x1x16xf32>
    %squeeze3A_3 = vector.shape_cast %slice3A_2 : vector<1248x1x16xf32> to vector<1248x16xf32>
    %slice3A_4 = vector.extract_strided_slice %reshape3A {offsets = [0, 2, 0], sizes = [1248, 1, 16], strides = [1, 1, 1]} : vector<1248x8x16xf32> to vector<1248x1x16xf32>
    %squeeze3A_5 = vector.shape_cast %slice3A_4 : vector<1248x1x16xf32> to vector<1248x16xf32>
    %slice3A_6 = vector.extract_strided_slice %reshape3A {offsets = [0, 3, 0], sizes = [1248, 1, 16], strides = [1, 1, 1]} : vector<1248x8x16xf32> to vector<1248x1x16xf32>
    %squeeze3A_7 = vector.shape_cast %slice3A_6 : vector<1248x1x16xf32> to vector<1248x16xf32>
    %slice3A_8 = vector.extract_strided_slice %reshape3A {offsets = [0, 4, 0], sizes = [1248, 1, 16], strides = [1, 1, 1]} : vector<1248x8x16xf32> to vector<1248x1x16xf32>
    %squeeze3A_9 = vector.shape_cast %slice3A_8 : vector<1248x1x16xf32> to vector<1248x16xf32>
    %slice3A_10 = vector.extract_strided_slice %reshape3A {offsets = [0, 5, 0], sizes = [1248, 1, 16], strides = [1, 1, 1]} : vector<1248x8x16xf32> to vector<1248x1x16xf32>
    %squeeze3A_11 = vector.shape_cast %slice3A_10 : vector<1248x1x16xf32> to vector<1248x16xf32>
    %slice3A_12 = vector.extract_strided_slice %reshape3A {offsets = [0, 6, 0], sizes = [1248, 1, 16], strides = [1, 1, 1]} : vector<1248x8x16xf32> to vector<1248x1x16xf32>
    %squeeze3A_13 = vector.shape_cast %slice3A_12 : vector<1248x1x16xf32> to vector<1248x16xf32>
    %slice3A_14 = vector.extract_strided_slice %reshape3A {offsets = [0, 7, 0], sizes = [1248, 1, 16], strides = [1, 1, 1]} : vector<1248x8x16xf32> to vector<1248x1x16xf32>
    %squeeze3A_15 = vector.shape_cast %slice3A_14 : vector<1248x1x16xf32> to vector<1248x16xf32>
    %concatenate3A = tpu.concatenate %squeeze3A, %squeeze3A_3, %squeeze3A_5, %squeeze3A_7, %squeeze3A_9, %squeeze3A_11, %squeeze3A_13, %squeeze3A_15 in 1 : vector<1248x16xf32>, vector<1248x16xf32>, vector<1248x16xf32>, vector<1248x16xf32>, vector<1248x16xf32>, vector<1248x16xf32>, vector<1248x16xf32>, vector<1248x16xf32> -> vector<1248x128xf32>
    %swap3A = arith.constant 0 : index
    %swap3A_16 = arith.constant 0 : index
    %swap3A_17 = vector.load %arg2[%swap3A, %swap3A_16] : memref<1248x128xf32, #tpu.memory_space<vmem>>, vector<1248x128xf32>
    tpu.vector_store %arg2[%swap3A, %swap3A_16], %concatenate3A {strides = array<i32>} : memref<1248x128xf32, #tpu.memory_space<vmem>>, vector<1248x128xf32>,
    return
  }
  func.func @transform_0(%arg0: i32) -> (i32, i32) {
    %c0_i32 = arith.constant 0 : i32
    %c0_i32_0 = arith.constant 0 : i32
    return %c0_i32, %arg0 : i32, i32
  }
  func.func @transform_1(%arg0: i32) -> (i32, i32) {
    %c0_i32 = arith.constant 0 : i32
    %c0_i32_0 = arith.constant 0 : i32
    return %arg0, %c0_i32 : i32, i32
  }
}

</mosaic_0001>

<sc_bundles>
// kernel: kernel.5.cloned.1.call-start
scs
__scs_entry_jumppad:
0x0: {  	(pc) =	sbr.rel $0x88, $3  }
0x1: {  	(tag) =	ssettag $0x0;
	lr =	simm.s32 $0x1  }
0x2: {  	[smem:$0x3F9D] =	sst lr;
	_ =	strace $0xD0000000  }
0x3: {  	_ = 	snop  }
0x4: {  	_ = 	snop  }
0x5: {  	_ = 	snop  }
0x6: {  	_ = 	snop  }
0x7: {  	_ = 	snop  }
__scs_overlays_trampoline_lowered:
0x8: {  	[smem:$0x3FAC] =	sst s0  }
0x9: {  	[smem:$0x3FAD] =	sst s1  }
0xa: {  	[smem:$0x3FAE] =	sst s2  }
0xb: {  	[smem:$0x3FAF] =	sst s3  }
0xc: {  	[smem:$0x3FB0] =	sst s4  }
0xd: {  	[smem:$0x3FB1] =	sst s5  }
0xe: {  	[smem:$0x3FB2] =	sst s6  }
0xf: {  	[smem:$0x3FB3] =	sst s7  }
0x10: {  	[smem:$0x3FB4] =	sst s8  }
0x11: {  	[smem:$0x3FB5] =	sst s9;
	s0 =	simm.s32 @!p0 $0x0  }
0x12: {  	s1 =	sld [smem:$0x3F9B];
	s0 =	simm.s32 @p0 $0x1  }
0x13: {  	[smem:$0x3FB6] =	sst s0;
	s0 =	simm.s32 @!p1 $0x0  }
0x14: {  	s2 =	sld [smem:$0x3F9A];
	s0 =	simm.s32 @p1 $0x1  }
0x15: {  	[smem:$0x3FB7] =	sst s0;
	s0 =	simm.s32 @!p2 $0x0  }
0x16: {  	s3 =	sld [smem:$0x3FDB];
	s0 =	simm.s32 @p2 $0x1  }
0x17: {  	s4 =	simm.s32 $0x1BF5;
	[smem:$0x3FB9] =	sst s0  }
0x18: {  	s0 =	sld [smem:$0x3F9C];
	_ =	swait.ge [sflag:s4], $0x0  }
0x19: {  	s7 =	sld [smem:$0x3F9D]  }
0x1a: {  	s8 =	sadd.s32 $0xFFFFE003, lr  }
0x1b: {  	s9 =	sadd.s32 $0xFFFFFEF7, lr;
	s5 =	simm.s32 $0xFFFFFFFF;
	p2 =	slt.u32 s8, $0xFFFFF086  }
0x1c: {  	p1 =	slt.u32 s9, $0xF7A;
	s5 =	simm.s32 @!p2 $0x0  }
0x1d: {  	s5 =	simm.s32 @p1 $0x1;
	p0 =	seq.s32 s7, s2  }
0x1e: {  	s7 =	smul.u32 @!p0 $0xF7A, s2;
	p2 =	seq.s32 @!p0 s5, $0x0  }
0x1f: {  	s9 =	smul.u32 $0xF7A, s1;
	s8 =	simm.s32 @!p0 $0x1BF5;
	p2 =	por !p2, p0  }
0x20: {  	[sflag:s8] =	ssyncset.s32 @!p0 $0xFFFFF086;
	s6 =	sadd.s32 @!p0 s3, s7;
	s7 =	simm.s32 @!p0 $0x108  }
0x21: {  	s3 =	sadd.s32 s3, s9;
	s6 =	sadd.s32 @!p0 $0x88, s6;
	s7 =	simm.s32 @p2 $0x1082  }
0x22: {  	[simem:s7], [sflag:s8] =	dma.local @!p0 [hbm:s6], $0xF7A  }
0x23: {  	s9 =	sor.u32 $0xD0000000, s2;
	s6 =	simm.s32 $0x108;
	_ =	swait.ge @!p0 [sflag:s8], $0x0  }
0x24: {  	s3 =	sadd.s32 $0x88, s3;
	s6 =	simm.s32 @!p1 $0x1082;
	[sflag:s4] =	ssyncset.s32 $0xFFFFF086  }
0x25: {  	[simem:s6], [sflag:s4] =	dma.local [hbm:s3], $0xF7A  }
0x26: {  	[smem:$0x3F9D] =	sst s1;
	(tag) =	ssettag s2;
	_ =	strace s9  }
0x27: {  	s1 =	sld [smem:$0x3FAD]  }
0x28: {  	s2 =	sld [smem:$0x3FAE]  }
0x29: {  	s4 =	sld [smem:$0x3FB0]  }
0x2a: {  	p0 =	seq.s32 s5, $0x0;
	s5 =	sld [smem:$0x3FB1]  }
0x2b: {  	s6 =	sld [smem:$0x3FB2]  }
0x2c: {  	s7 =	sld [smem:$0x3FB3]  }
0x2d: {  	s3 =	simm.s32 $0x108;
	s8 =	sld [smem:$0x3FB4]  }
0x2e: {  	s3 =	simm.s32 @!p0 $0x1082;
	s9 =	sld [smem:$0x3FB5]  }
0x2f: {  	lr =	sadd.s32 s0, s3;
	s0 =	sld [smem:$0x3FAC]  }
0x30: {  	s3 =	sld [smem:$0x3FAF]  }
0x31: {  	[smem:$0x3FB8] =	sst s10  }
0x32: {  	s10 =	sld [smem:$0x3FB6];
	_ =	sdelay $0x3  }
0x33: {  	p0 =	seq.s32 s10, $0x1;
	s10 =	sld [smem:$0x3FB8];
	_ =	sdelay $0x3  }
0x34: {  	[smem:$0x3FB8] =	sst s10  }
0x35: {  	s10 =	sld [smem:$0x3FB7];
	_ =	sdelay $0x3  }
0x36: {  	p1 =	seq.s32 s10, $0x1;
	s10 =	sld [smem:$0x3FB8];
	_ =	sdelay $0x3  }
0x37: {  	[smem:$0x3FB8] =	sst s10  }
0x38: {  	s10 =	sld [smem:$0x3FB9]  }
0x39: {  	_ = 	snop;
	(pc) =	sbr.ind lr, $3  }
0x3a: {  	_ = 	snop  }
0x3b: {  	_ = 	snop  }
0x3c: {  	p2 =	seq.s32 s10, $0x1;
	s10 =	sld [smem:$0x3FB8]  }
0x3d: {  	_ =	shalt  }
0x3e: {  	_ =	shalt  }
0x3f: {  	_ =	shalt  }
0x40: {  	_ =	shalt  }
0x41: {  	_ =	shalt  }
0x42: {  	_ =	shalt  }
0x43: {  	_ =	shalt  }
0x44: {  	_ =	shalt  }
0x45: {  	_ =	shalt  }
0x46: {  	_ =	shalt  }
0x47: {  	_ =	shalt  }
0x48: {  	_ =	shalt  }
0x49: {  	_ =	shalt  }
0x4a: {  	_ =	shalt  }
0x4b: {  	_ =	shalt  }
0x4c: {  	_ =	shalt  }
0x4d: {  	_ =	shalt  }
0x4e: {  	_ =	shalt  }
0x4f: {  	_ =	shalt  }
0x50: {  	_ =	shalt  }
0x51: {  	_ =	shalt  }
0x52: {  	_ =	shalt  }
0x53: {  	_ =	shalt  }
0x54: {  	_ =	shalt  }
0x55: {  	_ =	shalt  }
0x56: {  	_ =	shalt  }
0x57: {  	_ =	shalt  }
0x58: {  	_ =	shalt  }
0x59: {  	_ =	shalt  }
0x5a: {  	_ =	shalt  }
0x5b: {  	_ =	shalt  }
0x5c: {  	_ =	shalt  }
0x5d: {  	_ =	shalt  }
0x5e: {  	_ =	shalt  }
0x5f: {  	_ =	shalt  }
0x60: {  	_ =	shalt  }
0x61: {  	_ =	shalt  }
0x62: {  	_ =	shalt  }
0x63: {  	_ =	shalt  }
0x64: {  	_ =	shalt  }
0x65: {  	_ =	shalt  }
0x66: {  	_ =	shalt  }
0x67: {  	_ =	shalt  }
0x68: {  	_ =	shalt  }
0x69: {  	_ =	shalt  }
0x6a: {  	_ =	shalt  }
0x6b: {  	_ =	shalt  }
0x6c: {  	_ =	shalt  }
0x6d: {  	_ =	shalt  }
0x6e: {  	_ =	shalt  }
0x6f: {  	_ =	shalt  }
0x70: {  	_ =	shalt  }
0x71: {  	_ =	shalt  }
0x72: {  	_ =	shalt  }
0x73: {  	_ =	shalt  }
0x74: {  	_ =	shalt  }
0x75: {  	_ =	shalt  }
0x76: {  	_ =	shalt  }
0x77: {  	_ =	shalt  }
0x78: {  	_ =	shalt  }
0x79: {  	_ =	shalt  }
0x7a: {  	_ =	shalt  }
0x7b: {  	_ =	shalt  }
0x7c: {  	_ =	shalt  }
0x7d: {  	_ =	shalt  }
0x7e: {  	_ =	shalt  }
0x7f: {  	_ =	shalt  }
0x80: {  	_ =	shalt  }
0x81: {  	_ =	shalt  }
0x82: {  	_ =	shalt  }
0x83: {  	_ =	shalt  }
0x84: {  	_ =	shalt  }
0x85: {  	_ =	shalt  }
0x86: {  	_ =	shalt  }
0x87: {  	_ =	shalt  }
.Lfunc_end0:
.L_simem_size_0:
called_computation_lowered:
.L_overlay_start_0:
0x88: {  	s2 =	sld [smem:$0x3FD9]  }
0x89: {  	s3 =	sld [smem:$0x3FFE];
	_ =	sdelay $0x1  }
0x8a: {  	s1 =	srdreg.scid  }
0x8b: {  	s0 =	sand.u32 $0x1, s1  }
0x8c: {  	s17 =	sshll.u32 s0, $0xA;
	s2 =	sadd.s32 s3, s2  }
0x8d: {  	s2 =	sadd.s32 s2, s17  }
0x8e: {  	[smem:$0x3FC4] =	sst s2  }
0x8f: {  	_ = 	snop  }
0x90: {  	s2 =	sld [smem:$0x3FC9]  }
0x91: {  	s18 =	sld [smem:$0x3FC8]  }
0x92: {  	s4 =	sld [smem:$0x3FD0];
	(tm) =	ssettm $0x1  }
0x93: {  	s5 =	sld [smem:$0x3FFB];
	_ =	sdelay $0x3  }
0x94: {  	_ =	strace s5  }
0x95: {  	s5 =	sld [smem:$0x3FFC];
	_ =	sdelay $0x3  }
0x96: {  	_ =	strace s5  }
0x97: {  	s5 =	sld [smem:$0x3FFD];
	_ =	sdelay $0x3  }
0x98: {  	_ =	strace s5  }
0x99: {  	_ =	strace $0x8FFFFFFF  }
0x9a: {  	s19 =	sld [smem:$0x3FDB];
	_ =	sdelay $0x1  }
0x9b: {  	s6 =	simm.s32 $_scs_section_size  }
0x9c: {  	s7 =	simm.s32 $_size__tile_overlayer_lowered;
	s8 =	simm.s32 $_tile_overlayer_lowered  }
0x9d: {  	s22 =	simm.s32 $0x1BFF;
	s21 =	sshll.u32 s8, $0x1;
	s5 =	sadd.s32 s6, s19  }
0x9e: {  	s9 =	simm.s32 $0x0;
	s20 =	sshll.u32 s7, $0x1;
	s7 =	sadd.s32 s21, s5  }
0x9f: {  	[timem:s9], [sflag:s22] =	dma.local [hbm:s7], s20  }
0xa0: {  	_ =	swait.ge [sflag:s22], s20  }
0xa1: {  	s6 =	ssub.s32 $0x0, s20;
	[sflag:s22] =	ssyncset.done $0x0  }
0xa2: {  	[sflag:s22] =	ssyncadd.s32 s6;
	_ =	sdelay $0x1  }
0xa3: {  	s23 =	simm.s32 $0x1B8B  }
0xa4: {  	_ =	swait.ge [sflag:s23], $0x1  }
0xa5: {  	[sflag:s23] =	ssyncset.done $0x0  }
0xa6: {  	s25 =	simm.s32 $0x1B8E;
	s24 =	sld [smem:$0x3FFE];
	[sflag:s23] =	ssyncadd.s32 $0xFFFFFFFF  }
0xa7: {  	s26 =	simm.s32 $execute0_lowered;
	[smem:$0x3FD2] =	sst s25  }
0xa8: {  	s7 =	sshll.u32 s26, $0x1;
	_ =	strace $0x80000046;
	[dreg:$0x1] =	wrdreg $0xFFFFFFFF  }
0xa9: {  	s28 =	simm.s32 $_size_execute0_lowered;
	s5 =	sadd.s32 s5, s7;
	[dreg:$0x0] =	wrdreg $0x0  }
0xaa: {  	s7 =	sshll.u32 s28, $0x1;
	[dreg:$0x2] =	wrdreg s5  }
0xab: {  	[dreg:$0x3] =	wrdreg s7  }
0xac: {  	[dreg:$0x4] =	wrdreg $0xC0  }
0xad: {  	_ =	task [dreg:s9], $0x5FFFF  }
0xae: {  	[dreg:$0x1] =	wrdreg $0xFFFFFFFF  }
0xaf: {  	[dreg:$0x0] =	wrdreg $0x60  }
0xb0: {  	[dreg:$0x2] =	wrdreg s2  }
0xb1: {  	[dreg:$0x3] =	wrdreg s18  }
0xb2: {  	[dreg:$0x4] =	wrdreg s24  }
0xb3: {  	[dreg:$0x5] =	wrdreg s4  }
0xb4: {  	[dreg:$0x6] =	wrdreg $0x9  }
0xb5: {  	_ =	task.clear_ibuf [dreg:s9], $0x7FFFF;
	_ =	strace $0x90000046  }
0xb6: {  	s29 =	simm.s32 $0x9;
	_ =	strace $0x80000048  }
0xb7: {  	_ =	swait.ge [sflag:s29], $0x1  }
0xb8: {  	[sflag:s29] =	ssyncadd.s32 $0xFFFFFFFF  }
0xb9: {  	_ =	strace $0x90000048  }
0xba: {  	_ =	sfence  }
0xbb: {  	s30 =	sld [smem:$0x0];
	_ =	sdelay $0x2  }
0xbc: {  	s31 =	sshll.u32 s1, $0xD;
	s1 =	sshrl.u32 s1, $0x2  }
0xbd: {  	s3 =	sand.u32 $0x4000, s31;
	s1 =	sadd.s32 s1, s30  }
0xbe: {  	s0 =	sor.u32 s3, s0;
	s1 =	sshll.u32 s1, $0x11  }
0xbf: {  	s0 =	sor.u32 s1, s0  }
0xc0: {  	s0 =	sadd.s32 $0x8F2B, s0  }
0xc1: {  	[sflag:s0] =	ssyncadd.remote.s32 $0x1  }
0xc2: {  	_ =	sfence.sel $0xFFFF  }
0xc3: {  	[dreg:$0x0] =	wrdreg $0xFFFFFFFF;
	(pc) =	sbr.abs _section_cstart, $3  }
0xc4: {  	[dreg:$0x1] =	wrdreg $0xFFFFFFFF  }
0xc5: {  	_ =	task.clear_ibuf [dreg:s9], $0x2FFFF;
	_ =	strace $0x9FFFFFFF  }
0xc6: {  	(tm) =	ssettm $0x7FFFFFFF  }
0xc7: {  	_ =	shalt  }
tec
execute0_lowered:
.L_overlay_start_1:
0x0: {  	(tag) =	ssettag $0x1  }
0x1: {  	s0 =	rddreg [dreg:$0x0]  }
0x2: {  	s6 =	rddreg [dreg:$0x1]  }
0x3: {  	s4 =	rddreg [dreg:$0x2]  }
0x4: {  	s7 =	rddreg [dreg:$0x3]  }
0x5: {  	s2 =	simm.s32 $0x0;
	s3 =	srdreg.scid;
	s1 =	stileid.u32  }
0x6: {  	s11 =	simm.s32 $0x80;
	s12 =	simm.s32 $0x400;
	s13 =	simm.s32 $0x800  }
0x7: {  	s14 =	simm.s32 $0x600;
	s15 =	simm.s32 $0x8800;
	s16 =	simm.s32 $0x480  }
0x8: {  	s17 =	simm.s32 $0x4800;
	s18 =	simm.s32 $0x680;
	s19 =	simm.s32 $0xC800  }
0x9: {  	s20 =	simm.s32 $0x1;
	s21 =	simm.s32 $0x500;
	s22 =	simm.s32 $0x700  }
0xa: {  	s23 =	simm.s32 $0x580;
	s24 =	simm.s32 $0x780;
	s25 =	simm.s32 $0x10800  }
0xb: {  	s26 =	simm.s32 $0x0;
	[smem:$0x7FF] =	sst s2;
	s3 =	sand.u32 $0x1, s3  }
0xc: {  	s8 =	sshll.u32 s1, $0x7;
	_ =	strace $0x80000047;
	s5 =	ssub.s32 $0x2, s3  }
0xd: {  	s9 =	sshll.u32 s3, $0x6;
	s3 =	sadd.s32 $0x400, s4;
	s4 =	sadd.s32 $0x1ECA00, s4  }
0xe: {  	s10 =	sshrl.u32 s5, $0x1;
	s8 =	sor.u32 s9, s8;
	s9 =	simm.s32 $0x2  }
0xf: {  	v0 =	vlaneseq.u32;
	s31 =	ssub.s32 s5, s10;
	s5 =	sadd.s32 s0, s8;
	s6 =	sadd.s32 s6, s8  }
0x10: {  	v0 =	vmul.u32 $0x80, v0;
	s7 =	sadd.s32 s7, s8;
	s10 =	simm.s32 $0x200;
	s8 =	smax.u32 s31, $0x1  }
.LBB2_1:
0x11: {  	[tilespmem:s2], [sflag:$0x2] =	stream.linear.gather [hbm4b:s5+s2], $0x200, $0x38;
	[tilespmem:$0x10A00] =	vst v63  }
0x12: {  	_ =	swait.ge [sflag:s9], $0x200  }
0x13: {  	[sflag:s9] =	ssyncset.done $0x0  }
0x14: {  	[sflag:s9] =	ssyncadd.s32 $0xFFFFFE00  }
0x15: {  	[tilespmem:s10], [sflag:$0x2] =	stream.linear.gather [hbm4b:s6+s2], $0x200, $0x38;
	[tilespmem:$0x10A00] =	vst v63  }
0x16: {  	_ =	swait.ge [sflag:s9], $0x200  }
0x17: {  	[sflag:s9] =	ssyncset.done $0x0  }
0x18: {  	s0 =	simm.s32 $0x0;
	[sflag:s9] =	ssyncadd.s32 $0xFFFFFE00  }
0x19: {  	v1 =	vld [tilespmem:s0+$0x200]  }
0x1a: {  	s28 =	simm.s32 $0x40;
	v2 =	vld [tilespmem:s0+$0x0]  }
.LBB2_2:
0x1b: {  	p0 =	sne.s32 s28, $0x7C0  }
.Ltmp0:
0x1c: {  	_ = 	snop;
	(pc) =	sbr.rel @p0 .LBB2_2-.Ltmp0, $4  }
0x1d: {  	_ = 	snop  }
0x1e: {  	s29 =	sshra.s32 s28, $0x2;
	s28 =	sadd.s32 $0x40, s28;
	v3 =	vshrl.u32 v1, $0x3  }
0x1f: {  	v1 =	vld [tilespmem:s29+$0x200];
	v4 =	vshrl.u32 v2, $0x3;
	[tilespmem:s0+$0x600] =	vst v3  }
0x20: {  	v2 =	vld [tilespmem:s29+$0x0];
	[tilespmem:s0+$0x400] =	vst v4;
	s0 =	smov.u32 s29  }
0x21: {  	_ =	sdelay $0x2  }
0x22: {  	v1 =	vshrl.u32 v1, $0x3  }
0x23: {  	v2 =	vshrl.u32 v2, $0x3;
	[tilespmem:s0+$0x600] =	vst v1  }
0x24: {  	[tilespmem:s0+$0x400] =	vst v2  }
0x25: {  	[tilespmem:s13], [sflag:$0x1] =	stream.indirect.gather [hbm4b:s3+s11], $0x80, s12, s11, $0xb8;
	[tilespmem:$0x10A00] =	vst v63  }
0x26: {  	_ = 	snop  }
0x27: {  	[tilespmem:s15], [sflag:$0x1] =	stream.indirect.gather [hbm4b:s4+s11], $0x80, s14, s11, $0xb8;
	[tilespmem:$0x10A00] =	vst v63  }
0x28: {  	_ = 	snop  }
0x29: {  	[tilespmem:s17], [sflag:$0x1] =	stream.indirect.gather [hbm4b:s3+s11], $0x80, s16, s11, $0xb8;
	[tilespmem:$0x10A00] =	vst v63  }
0x2a: {  	_ = 	snop  }
0x2b: {  	[tilespmem:s19], [sflag:$0x1] =	stream.indirect.gather [hbm4b:s4+s11], $0x80, s18, s11, $0xb8;
	[tilespmem:$0x10A00] =	vst v63  }
0x2c: {  	_ =	swait.ge [sflag:s20], $0x4000  }
0x2d: {  	[sflag:s20] =	ssyncset.done $0x0  }
0x2e: {  	[sflag:s20] =	ssyncadd.s32 $0xFFFFC000  }
0x2f: {  	_ =	swait.ge [sflag:s20], $0x4000  }
0x30: {  	[sflag:s20] =	ssyncset.done $0x0  }
0x31: {  	[sflag:s20] =	ssyncadd.s32 $0xFFFFC000  }
0x32: {  	_ =	swait.ge [sflag:s20], $0x4000  }
0x33: {  	[sflag:s20] =	ssyncset.done $0x0  }
0x34: {  	[sflag:s20] =	ssyncadd.s32 $0xFFFFC000  }
0x35: {  	_ =	swait.ge [sflag:s20], $0x4000  }
0x36: {  	[sflag:s20] =	ssyncset.done $0x0  }
0x37: {  	s0 =	simm.s32 $0x0;
	[sflag:s20] =	ssyncadd.s32 $0xFFFFC000  }
0x38: {  	s28 =	simm.s32 $0x200;
	v1 =	vld [tilespmem:s0+$0x0]  }
0x39: {  	v2 =	vld [tilespmem:s28+$0x0];
	_ =	sdelay $0x2  }
0x3a: {  	v3 =	vmov s0  }
0x3b: {  	v3 =	vshll.u32 v3, $0x7;
	v1 =	vshll.u32 v1, $0x4  }
0x3c: {  	v3 =	vor.u32 v0, v3;
	v2 =	vshll.u32 v2, $0x4;
	v1 =	vand.u32 $0x70, v1  }
0x3d: {  	v2 =	vand.u32 $0x70, v2;
	v1 =	vor.u32 v3, v1  }
0x3e: {  	v2 =	vor.u32 v3, v2  }
0x3f: {  	v3 =	vor.u32 $0x1, v1  }
0x40: {  	v4 =	vor.u32 $0x1, v2  }
0x41: {  	v5 =	vor.u32 $0x2, v1  }
0x42: {  	v7 =	vor.u32 $0x2, v2;
	v6 =	vld.idx.msk [tilespmem:v1+s13+$0x0], $0xffff  }
0x43: {  	v9 =	vor.u32 $0x3, v1;
	v8 =	vld.idx.msk [tilespmem:v2+s15+$0x0], $0xffff  }
0x44: {  	v10 =	vor.u32 $0x3, v2;
	v3 =	vld.idx.msk [tilespmem:v3+s13+$0x0], $0xffff  }
0x45: {  	v11 =	vor.u32 $0x4, v1;
	v4 =	vld.idx.msk [tilespmem:v4+s15+$0x0], $0xffff  }
0x46: {  	v12 =	vor.u32 $0x4, v2;
	v5 =	vld.idx.msk [tilespmem:v5+s13+$0x0], $0xffff  }
0x47: {  	v13 =	vor.u32 $0x5, v1;
	v7 =	vld.idx.msk [tilespmem:v7+s15+$0x0], $0xffff  }
0x48: {  	v14 =	vor.u32 $0x5, v2;
	v9 =	vld.idx.msk [tilespmem:v9+s13+$0x0], $0xffff;
	v6 =	vmul.f32 v8, v6  }
0x49: {  	v25 =	vor.u32 $0x6, v1;
	v24 =	vld.idx.msk [tilespmem:v10+s15+$0x0], $0xffff  }
0x4a: {  	v15 =	vor.u32 $0x6, v2;
	v11 =	vld.idx.msk [tilespmem:v11+s13+$0x0], $0xffff;
	v3 =	vmul.f32 v4, v3;
	v6 =	vadd.f32 $0.0e+00, v6  }
0x4b: {  	v27 =	vor.u32 $0x7, v1;
	v26 =	vld.idx.msk [tilespmem:v12+s15+$0x0], $0xffff  }
0x4c: {  	v16 =	vor.u32 $0x7, v2;
	v13 =	vld.idx.msk [tilespmem:v13+s13+$0x0], $0xffff;
	v5 =	vmul.f32 v7, v5;
	v3 =	vadd.f32 v3, v6  }
0x4d: {  	v30 =	vor.u32 $0x8, v2;
	v28 =	vld.idx.msk [tilespmem:v14+s15+$0x0], $0xffff  }
0x4e: {  	v29 =	vor.u32 $0x8, v1;
	v10 =	vld.idx.msk [tilespmem:v25+s13+$0x0], $0xffff;
	v31 =	vmul.f32 v24, v9;
	v3 =	vadd.f32 v5, v3  }
0x4f: {  	v34 =	vor.u32 $0x9, v2;
	v32 =	vld.idx.msk [tilespmem:v15+s15+$0x0], $0xffff  }
0x50: {  	v33 =	vor.u32 $0x9, v1;
	v12 =	vld.idx.msk [tilespmem:v27+s13+$0x0], $0xffff;
	v4 =	vmul.f32 v26, v11;
	v3 =	vadd.f32 v31, v3  }
0x51: {  	v37 =	vor.u32 $0xA, v2;
	v35 =	vld.idx.msk [tilespmem:v16+s15+$0x0], $0xffff  }
0x52: {  	v36 =	vor.u32 $0xA, v1;
	v39 =	vld.idx.msk [tilespmem:v30+s15+$0x0], $0xffff;
	v38 =	vmul.f32 v28, v13;
	v3 =	vadd.f32 v4, v3  }
0x53: {  	v41 =	vor.u32 $0xB, v2;
	v7 =	vld.idx.msk [tilespmem:v29+s13+$0x0], $0xffff  }
0x54: {  	v40 =	vor.u32 $0xB, v1;
	v43 =	vld.idx.msk [tilespmem:v34+s15+$0x0], $0xffff;
	v42 =	vmul.f32 v32, v10;
	v3 =	vadd.f32 v38, v3  }
0x55: {  	v45 =	vor.u32 $0xC, v2;
	v9 =	vld.idx.msk [tilespmem:v33+s13+$0x0], $0xffff  }
0x56: {  	v44 =	vor.u32 $0xC, v1;
	v47 =	vld.idx.msk [tilespmem:v37+s15+$0x0], $0xffff;
	v46 =	vmul.f32 v35, v12;
	v3 =	vadd.f32 v42, v3  }
0x57: {  	v48 =	vor.u32 $0xD, v1;
	v11 =	vld.idx.msk [tilespmem:v36+s13+$0x0], $0xffff  }
0x58: {  	v49 =	vor.u32 $0xD, v2;
	v51 =	vld.idx.msk [tilespmem:v41+s15+$0x0], $0xffff;
	v50 =	vmul.f32 v39, v7;
	v3 =	vadd.f32 v46, v3  }
0x59: {  	v53 =	vor.u32 $0xE, v2;
	v13 =	vld.idx.msk [tilespmem:v40+s13+$0x0], $0xffff  }
0x5a: {  	v52 =	vor.u32 $0xE, v1;
	v55 =	vld.idx.msk [tilespmem:v45+s15+$0x0], $0xffff;
	v54 =	vmul.f32 v43, v9;
	v3 =	vadd.f32 v50, v3  }
0x5b: {  	v1 =	vor.u32 $0xF, v1;
	v10 =	vld.idx.msk [tilespmem:v44+s13+$0x0], $0xffff  }
0x5c: {  	v2 =	vor.u32 $0xF, v2;
	v56 =	vld.idx.msk [tilespmem:v48+s13+$0x0], $0xffff;
	v57 =	vmul.f32 v47, v11;
	v3 =	vadd.f32 v54, v3  }
0x5d: {  	v58 =	vld.idx.msk [tilespmem:v49+s15+$0x0], $0xffff  }
0x5e: {  	v60 =	vld.idx.msk [tilespmem:v53+s15+$0x0], $0xffff;
	v59 =	vmul.f32 v51, v13;
	v3 =	vadd.f32 v57, v3  }
0x5f: {  	v7 =	vld.idx.msk [tilespmem:v52+s13+$0x0], $0xffff  }
0x60: {  	v1 =	vld.idx.msk [tilespmem:v1+s13+$0x0], $0xffff;
	v61 =	vmul.f32 v55, v10;
	v3 =	vadd.f32 v59, v3  }
0x61: {  	v2 =	vld.idx.msk [tilespmem:v2+s15+$0x0], $0xffff  }
0x62: {  	v62 =	vmul.f32 v58, v56;
	v3 =	vadd.f32 v61, v3;
	_ =	sdelay $0x1  }
0x63: {  	v63 =	vmul.f32 v60, v7;
	v3 =	vadd.f32 v62, v3;
	_ =	sdelay $0x1  }
0x64: {  	v1 =	vmul.f32 v2, v1;
	v3 =	vadd.f32 v63, v3;
	_ =	sdelay $0x1  }
0x65: {  	v1 =	vadd.f32 v1, v3  }
0x66: {  	s28 =	simm.s32 $0x10800  }
0x67: {  	s29 =	simm.s32 $0x10;
	[tilespmem:s28+$0x0] =	vst v1  }
0x68: {  	s30 =	simm.s32 $0x210;
	v2 =	vld [tilespmem:s29+$0x0]  }
0x69: {  	s31 =	simm.s32 $0x20;
	s0 =	simm.s32 $0x10;
	v1 =	vld [tilespmem:s30+$0x0]  }
.LBB2_4:
0x6a: {  	p0 =	sne.s32 s31, $0xF0;
	_ =	sdelay $0x1  }
0x6b: {  	v3 =	vmov s29;
	s29 =	smov.u32 s31  }
0x6c: {  	v3 =	vshll.u32 v3, $0x7;
	v2 =	vshll.u32 v2, $0x4  }
0x6d: {  	v3 =	vor.u32 v0, v3;
	v2 =	vand.u32 $0x70, v2;
	v1 =	vshll.u32 v1, $0x4  }
0x6e: {  	v1 =	vand.u32 $0x70, v1;
	v2 =	vor.u32 v3, v2  }
0x6f: {  	v1 =	vor.u32 v3, v1  }
0x70: {  	v3 =	vor.u32 $0x1, v2  }
0x71: {  	v4 =	vor.u32 $0x1, v1  }
0x72: {  	v5 =	vor.u32 $0x2, v2  }
0x73: {  	v7 =	vor.u32 $0x2, v1;
	v6 =	vld.idx.msk [tilespmem:v2+s13+$0x0], $0xffff  }
0x74: {  	v9 =	vor.u32 $0x3, v2;
	v8 =	vld.idx.msk [tilespmem:v1+s15+$0x0], $0xffff  }
0x75: {  	v10 =	vor.u32 $0x3, v1;
	v3 =	vld.idx.msk [tilespmem:v3+s13+$0x0], $0xffff  }
0x76: {  	v11 =	vor.u32 $0x4, v2;
	v4 =	vld.idx.msk [tilespmem:v4+s15+$0x0], $0xffff  }
0x77: {  	v12 =	vor.u32 $0x4, v1;
	v5 =	vld.idx.msk [tilespmem:v5+s13+$0x0], $0xffff  }
0x78: {  	v13 =	vor.u32 $0x5, v2;
	v7 =	vld.idx.msk [tilespmem:v7+s15+$0x0], $0xffff  }
0x79: {  	v14 =	vor.u32 $0x5, v1;
	v9 =	vld.idx.msk [tilespmem:v9+s13+$0x0], $0xffff  }
0x7a: {  	v6 =	vmul.f32 v8, v6;
	v8 =	vld.idx.msk [tilespmem:v10+s15+$0x0], $0xffff;
	v10 =	vor.u32 $0x6, v2  }
0x7b: {  	v15 =	vor.u32 $0x6, v1;
	v11 =	vld.idx.msk [tilespmem:v11+s13+$0x0], $0xffff  }
0x7c: {  	v6 =	vadd.f32 $0.0e+00, v6;
	v3 =	vmul.f32 v4, v3;
	v4 =	vld.idx.msk [tilespmem:v12+s15+$0x0], $0xffff;
	v12 =	vor.u32 $0x7, v2  }
0x7d: {  	v16 =	vor.u32 $0x7, v1;
	v13 =	vld.idx.msk [tilespmem:v13+s13+$0x0], $0xffff  }
0x7e: {  	v3 =	vadd.f32 v3, v6;
	v5 =	vmul.f32 v7, v5;
	v7 =	vor.u32 $0x8, v2;
	v6 =	vld.idx.msk [tilespmem:v14+s15+$0x0], $0xffff  }
0x7f: {  	v14 =	vor.u32 $0x8, v1;
	v10 =	vld.idx.msk [tilespmem:v10+s13+$0x0], $0xffff  }
0x80: {  	v3 =	vadd.f32 v5, v3;
	v5 =	vmul.f32 v8, v9;
	v9 =	vor.u32 $0x9, v2;
	v8 =	vld.idx.msk [tilespmem:v15+s15+$0x0], $0xffff  }
0x81: {  	v15 =	vor.u32 $0x9, v1;
	v12 =	vld.idx.msk [tilespmem:v12+s13+$0x0], $0xffff  }
0x82: {  	v3 =	vadd.f32 v5, v3;
	v4 =	vmul.f32 v4, v11;
	v11 =	vor.u32 $0xA, v2;
	v5 =	vld.idx.msk [tilespmem:v16+s15+$0x0], $0xffff  }
0x83: {  	v16 =	vor.u32 $0xA, v1;
	v7 =	vld.idx.msk [tilespmem:v7+s13+$0x0], $0xffff  }
0x84: {  	v3 =	vadd.f32 v4, v3;
	v4 =	vmul.f32 v6, v13;
	v13 =	vor.u32 $0xB, v2;
	v6 =	vld.idx.msk [tilespmem:v14+s15+$0x0], $0xffff  }
0x85: {  	v14 =	vor.u32 $0xB, v1;
	v9 =	vld.idx.msk [tilespmem:v9+s13+$0x0], $0xffff  }
0x86: {  	v3 =	vadd.f32 v4, v3;
	v4 =	vmul.f32 v8, v10;
	v10 =	vor.u32 $0xC, v2;
	v8 =	vld.idx.msk [tilespmem:v15+s15+$0x0], $0xffff  }
0x87: {  	v15 =	vor.u32 $0xC, v1;
	v11 =	vld.idx.msk [tilespmem:v11+s13+$0x0], $0xffff  }
0x88: {  	v3 =	vadd.f32 v4, v3;
	v4 =	vmul.f32 v5, v12;
	v12 =	vor.u32 $0xD, v2;
	v5 =	vld.idx.msk [tilespmem:v16+s15+$0x0], $0xffff  }
0x89: {  	v16 =	vor.u32 $0xD, v1;
	v13 =	vld.idx.msk [tilespmem:v13+s13+$0x0], $0xffff  }
0x8a: {  	v3 =	vadd.f32 v4, v3;
	v4 =	vmul.f32 v6, v7;
	v7 =	vor.u32 $0xE, v2;
	v6 =	vld.idx.msk [tilespmem:v14+s15+$0x0], $0xffff  }
0x8b: {  	v14 =	vor.u32 $0xE, v1;
	v10 =	vld.idx.msk [tilespmem:v10+s13+$0x0], $0xffff  }
0x8c: {  	v2 =	vor.u32 $0xF, v2;
	v3 =	vadd.f32 v4, v3;
	v4 =	vmul.f32 v8, v9;
	v8 =	vld.idx.msk [tilespmem:v15+s15+$0x0], $0xffff  }
0x8d: {  	v1 =	vor.u32 $0xF, v1;
	v9 =	vld.idx.msk [tilespmem:v12+s13+$0x0], $0xffff  }
0x8e: {  	v3 =	vadd.f32 v4, v3;
	v4 =	vmul.f32 v5, v11;
	v5 =	vld.idx.msk [tilespmem:v16+s15+$0x0], $0xffff  }
0x8f: {  	v7 =	vld.idx.msk [tilespmem:v7+s13+$0x0], $0xffff  }
0x90: {  	v3 =	vadd.f32 v4, v3;
	v4 =	vmul.f32 v6, v13;
	v6 =	vld.idx.msk [tilespmem:v14+s15+$0x0], $0xffff  }
0x91: {  	v2 =	vld.idx.msk [tilespmem:v2+s13+$0x0], $0xffff  }
0x92: {  	v3 =	vadd.f32 v4, v3;
	v4 =	vmul.f32 v8, v10;
	v1 =	vld.idx.msk [tilespmem:v1+s15+$0x0], $0xffff;
	_ =	sdelay $0x1  }
0x93: {  	v3 =	vadd.f32 v4, v3;
	v4 =	vmul.f32 v5, v9;
	_ =	sdelay $0x1  }
0x94: {  	v3 =	vadd.f32 v4, v3;
	v4 =	vmul.f32 v6, v7;
	_ =	sdelay $0x1  }
0x95: {  	v3 =	vadd.f32 v4, v3;
	v1 =	vmul.f32 v1, v2;
	_ =	sdelay $0x1  }
.Ltmp1:
0x96: {  	v1 =	vadd.f32 v1, v3;
	(pc) =	sbr.rel @p0 .LBB2_4-.Ltmp1, $4  }
0x97: {  	s28 =	sadd.s32 $0x10, s28  }
0x98: {  	s0 =	sadd.s32 $0x10, s0;
	[tilespmem:s28+$0x0] =	vst v1  }
0x99: {  	s30 =	sadd.s32 $0x10, s30;
	v2 =	vld [tilespmem:s0+$0x0]  }
0x9a: {  	s31 =	sadd.s32 $0x10, s31;
	v1 =	vld [tilespmem:s30+$0x0]  }
0x9b: {  	_ =	sdelay $0x1  }
0x9c: {  	v3 =	vmov s29  }
0x9d: {  	v3 =	vshll.u32 v3, $0x7;
	v2 =	vshll.u32 v2, $0x4  }
0x9e: {  	v3 =	vor.u32 v0, v3;
	v2 =	vand.u32 $0x70, v2;
	v1 =	vshll.u32 v1, $0x4  }
0x9f: {  	v1 =	vand.u32 $0x70, v1;
	v2 =	vor.u32 v3, v2  }
0xa0: {  	v1 =	vor.u32 v3, v1  }
0xa1: {  	v3 =	vor.u32 $0x1, v2  }
0xa2: {  	v4 =	vor.u32 $0x1, v1  }
0xa3: {  	v5 =	vor.u32 $0x2, v2  }
0xa4: {  	v7 =	vor.u32 $0x2, v1;
	v6 =	vld.idx.msk [tilespmem:v2+s13+$0x0], $0xffff  }
0xa5: {  	v9 =	vor.u32 $0x3, v2;
	v8 =	vld.idx.msk [tilespmem:v1+s15+$0x0], $0xffff  }
0xa6: {  	v10 =	vor.u32 $0x3, v1;
	v3 =	vld.idx.msk [tilespmem:v3+s13+$0x0], $0xffff  }
0xa7: {  	v11 =	vor.u32 $0x4, v2;
	v4 =	vld.idx.msk [tilespmem:v4+s15+$0x0], $0xffff  }
0xa8: {  	v12 =	vor.u32 $0x4, v1;
	v5 =	vld.idx.msk [tilespmem:v5+s13+$0x0], $0xffff  }
0xa9: {  	v13 =	vor.u32 $0x5, v2;
	v7 =	vld.idx.msk [tilespmem:v7+s15+$0x0], $0xffff  }
0xaa: {  	v14 =	vor.u32 $0x5, v1;
	v9 =	vld.idx.msk [tilespmem:v9+s13+$0x0], $0xffff;
	v6 =	vmul.f32 v8, v6  }
0xab: {  	v20 =	vor.u32 $0x6, v2;
	v63 =	vld.idx.msk [tilespmem:v10+s15+$0x0], $0xffff  }
0xac: {  	v15 =	vor.u32 $0x6, v1;
	v11 =	vld.idx.msk [tilespmem:v11+s13+$0x0], $0xffff;
	v3 =	vmul.f32 v4, v3;
	v6 =	vadd.f32 $0.0e+00, v6  }
0xad: {  	v22 =	vor.u32 $0x7, v2;
	v21 =	vld.idx.msk [tilespmem:v12+s15+$0x0], $0xffff  }
0xae: {  	v16 =	vor.u32 $0x7, v1;
	v13 =	vld.idx.msk [tilespmem:v13+s13+$0x0], $0xffff;
	v5 =	vmul.f32 v7, v5;
	v3 =	vadd.f32 v3, v6  }
0xaf: {  	v25 =	vor.u32 $0x8, v1;
	v23 =	vld.idx.msk [tilespmem:v14+s15+$0x0], $0xffff  }
0xb0: {  	v24 =	vor.u32 $0x8, v2;
	v10 =	vld.idx.msk [tilespmem:v20+s13+$0x0], $0xffff;
	v26 =	vmul.f32 v63, v9;
	v3 =	vadd.f32 v5, v3  }
0xb1: {  	v29 =	vor.u32 $0x9, v1;
	v27 =	vld.idx.msk [tilespmem:v15+s15+$0x0], $0xffff  }
0xb2: {  	v28 =	vor.u32 $0x9, v2;
	v12 =	vld.idx.msk [tilespmem:v22+s13+$0x0], $0xffff;
	v4 =	vmul.f32 v21, v11;
	v3 =	vadd.f32 v26, v3  }
0xb3: {  	v32 =	vor.u32 $0xA, v1;
	v30 =	vld.idx.msk [tilespmem:v16+s15+$0x0], $0xffff  }
0xb4: {  	v31 =	vor.u32 $0xA, v2;
	v34 =	vld.idx.msk [tilespmem:v25+s15+$0x0], $0xffff;
	v33 =	vmul.f32 v23, v13;
	v3 =	vadd.f32 v4, v3  }
0xb5: {  	v36 =	vor.u32 $0xB, v1;
	v7 =	vld.idx.msk [tilespmem:v24+s13+$0x0], $0xffff  }
0xb6: {  	v35 =	vor.u32 $0xB, v2;
	v38 =	vld.idx.msk [tilespmem:v29+s15+$0x0], $0xffff;
	v37 =	vmul.f32 v27, v10;
	v3 =	vadd.f32 v33, v3  }
0xb7: {  	v40 =	vor.u32 $0xC, v1;
	v9 =	vld.idx.msk [tilespmem:v28+s13+$0x0], $0xffff  }
0xb8: {  	v39 =	vor.u32 $0xC, v2;
	v42 =	vld.idx.msk [tilespmem:v32+s15+$0x0], $0xffff;
	v41 =	vmul.f32 v30, v12;
	v3 =	vadd.f32 v37, v3  }
0xb9: {  	v43 =	vor.u32 $0xD, v2;
	v11 =	vld.idx.msk [tilespmem:v31+s13+$0x0], $0xffff  }
0xba: {  	v44 =	vor.u32 $0xD, v1;
	v46 =	vld.idx.msk [tilespmem:v36+s15+$0x0], $0xffff;
	v45 =	vmul.f32 v34, v7;
	v3 =	vadd.f32 v41, v3  }
0xbb: {  	v48 =	vor.u32 $0xE, v1;
	v13 =	vld.idx.msk [tilespmem:v35+s13+$0x0], $0xffff  }
0xbc: {  	v47 =	vor.u32 $0xE, v2;
	v50 =	vld.idx.msk [tilespmem:v40+s15+$0x0], $0xffff;
	v49 =	vmul.f32 v38, v9;
	v3 =	vadd.f32 v45, v3  }
0xbd: {  	v2 =	vor.u32 $0xF, v2;
	v10 =	vld.idx.msk [tilespmem:v39+s13+$0x0], $0xffff  }
0xbe: {  	v51 =	vld.idx.msk [tilespmem:v43+s13+$0x0], $0xffff;
	v1 =	vor.u32 $0xF, v1;
	v52 =	vmul.f32 v42, v11;
	v3 =	vadd.f32 v49, v3  }
0xbf: {  	v53 =	vld.idx.msk [tilespmem:v44+s15+$0x0], $0xffff  }
0xc0: {  	v55 =	vld.idx.msk [tilespmem:v48+s15+$0x0], $0xffff;
	v54 =	vmul.f32 v46, v13;
	v3 =	vadd.f32 v52, v3  }
0xc1: {  	v7 =	vld.idx.msk [tilespmem:v47+s13+$0x0], $0xffff  }
0xc2: {  	v2 =	vld.idx.msk [tilespmem:v2+s13+$0x0], $0xffff;
	v56 =	vmul.f32 v50, v10;
	v3 =	vadd.f32 v54, v3  }
0xc3: {  	v1 =	vld.idx.msk [tilespmem:v1+s15+$0x0], $0xffff  }
0xc4: {  	v57 =	vmul.f32 v53, v51;
	v3 =	vadd.f32 v56, v3;
	_ =	sdelay $0x1  }
0xc5: {  	v58 =	vmul.f32 v55, v7;
	v3 =	vadd.f32 v57, v3;
	_ =	sdelay $0x1  }
0xc6: {  	v1 =	vmul.f32 v1, v2;
	v3 =	vadd.f32 v58, v3;
	_ =	sdelay $0x1  }
0xc7: {  	v1 =	vadd.f32 v1, v3  }
0xc8: {  	s0 =	sadd.s32 $0x10, s28  }
0xc9: {  	[tilespmem:s0+$0x0] =	vst v1  }
0xca: {  	[tilespmem:s13], [sflag:$0x1] =	stream.indirect.gather [hbm4b:s3+s11], $0x80, s21, s11, $0xb8;
	[tilespmem:$0x10A00] =	vst v63  }
0xcb: {  	_ = 	snop  }
0xcc: {  	[tilespmem:s15], [sflag:$0x1] =	stream.indirect.gather [hbm4b:s4+s11], $0x80, s22, s11, $0xb8;
	[tilespmem:$0x10A00] =	vst v63  }
0xcd: {  	_ = 	snop  }
0xce: {  	[tilespmem:s17], [sflag:$0x1] =	stream.indirect.gather [hbm4b:s3+s11], $0x80, s23, s11, $0xb8;
	[tilespmem:$0x10A00] =	vst v63  }
0xcf: {  	_ = 	snop  }
0xd0: {  	[tilespmem:s19], [sflag:$0x1] =	stream.indirect.gather [hbm4b:s4+s11], $0x80, s24, s11, $0xb8;
	[tilespmem:$0x10A00] =	vst v63  }
0xd1: {  	_ =	swait.ge [sflag:s20], $0x4000  }
0xd2: {  	[sflag:s20] =	ssyncset.done $0x0  }
0xd3: {  	[sflag:s20] =	ssyncadd.s32 $0xFFFFC000  }
0xd4: {  	_ =	swait.ge [sflag:s20], $0x4000  }
0xd5: {  	[sflag:s20] =	ssyncset.done $0x0  }
0xd6: {  	[sflag:s20] =	ssyncadd.s32 $0xFFFFC000  }
0xd7: {  	_ =	swait.ge [sflag:s20], $0x4000  }
0xd8: {  	[sflag:s20] =	ssyncset.done $0x0  }
0xd9: {  	[sflag:s20] =	ssyncadd.s32 $0xFFFFC000  }
0xda: {  	_ =	swait.ge [sflag:s20], $0x4000  }
0xdb: {  	[sflag:s20] =	ssyncset.done $0x0  }
0xdc: {  	s0 =	simm.s32 $0x100;
	[sflag:s20] =	ssyncadd.s32 $0xFFFFC000  }
0xdd: {  	s28 =	simm.s32 $0x300;
	v1 =	vld [tilespmem:s0+$0x0]  }
0xde: {  	v2 =	vld [tilespmem:s28+$0x0];
	_ =	sdelay $0x1  }
0xdf: {  	s0 =	simm.s32 $0x0  }
0xe0: {  	v3 =	vmov s0  }
0xe1: {  	v3 =	vshll.u32 v3, $0x7;
	v1 =	vshll.u32 v1, $0x4  }
0xe2: {  	v3 =	vor.u32 v0, v3;
	v2 =	vshll.u32 v2, $0x4;
	v1 =	vand.u32 $0x70, v1  }
0xe3: {  	v2 =	vand.u32 $0x70, v2;
	v1 =	vor.u32 v3, v1  }
0xe4: {  	v2 =	vor.u32 v3, v2  }
0xe5: {  	v3 =	vor.u32 $0x1, v1  }
0xe6: {  	v59 =	vor.u32 $0x1, v2  }
0xe7: {  	v60 =	vor.u32 $0x2, v1  }
0xe8: {  	v62 =	vor.u32 $0x2, v2;
	v61 =	vld.idx.msk [tilespmem:v1+s13+$0x0], $0xffff  }
0xe9: {  	v16 =	vor.u32 $0x3, v1;
	v63 =	vld.idx.msk [tilespmem:v2+s15+$0x0], $0xffff  }
0xea: {  	v17 =	vor.u32 $0x3, v2;
	v3 =	vld.idx.msk [tilespmem:v3+s13+$0x0], $0xffff  }
0xeb: {  	v18 =	vor.u32 $0x4, v1;
	v4 =	vld.idx.msk [tilespmem:v59+s15+$0x0], $0xffff  }
0xec: {  	v19 =	vor.u32 $0x4, v2;
	v5 =	vld.idx.msk [tilespmem:v60+s13+$0x0], $0xffff  }
0xed: {  	v20 =	vor.u32 $0x5, v1;
	v7 =	vld.idx.msk [tilespmem:v62+s15+$0x0], $0xffff  }
0xee: {  	v21 =	vor.u32 $0x5, v2;
	v9 =	vld.idx.msk [tilespmem:v16+s13+$0x0], $0xffff;
	v6 =	vmul.f32 v63, v61  }
0xef: {  	v23 =	vor.u32 $0x6, v1;
	v22 =	vld.idx.msk [tilespmem:v17+s15+$0x0], $0xffff  }
0xf0: {  	v24 =	vor.u32 $0x6, v2;
	v11 =	vld.idx.msk [tilespmem:v18+s13+$0x0], $0xffff;
	v3 =	vmul.f32 v4, v3;
	v6 =	vadd.f32 $0.0e+00, v6  }
0xf1: {  	v26 =	vor.u32 $0x7, v1;
	v25 =	vld.idx.msk [tilespmem:v19+s15+$0x0], $0xffff  }
0xf2: {  	v27 =	vor.u32 $0x7, v2;
	v13 =	vld.idx.msk [tilespmem:v20+s13+$0x0], $0xffff;
	v5 =	vmul.f32 v7, v5;
	v3 =	vadd.f32 v3, v6  }
0xf3: {  	v30 =	vor.u32 $0x8, v2;
	v28 =	vld.idx.msk [tilespmem:v21+s15+$0x0], $0xffff  }
0xf4: {  	v29 =	vor.u32 $0x8, v1;
	v10 =	vld.idx.msk [tilespmem:v23+s13+$0x0], $0xffff;
	v31 =	vmul.f32 v22, v9;
	v3 =	vadd.f32 v5, v3  }
0xf5: {  	v34 =	vor.u32 $0x9, v2;
	v32 =	vld.idx.msk [tilespmem:v24+s15+$0x0], $0xffff  }
0xf6: {  	v33 =	vor.u32 $0x9, v1;
	v12 =	vld.idx.msk [tilespmem:v26+s13+$0x0], $0xffff;
	v4 =	vmul.f32 v25, v11;
	v3 =	vadd.f32 v31, v3  }
0xf7: {  	v37 =	vor.u32 $0xA, v2;
	v35 =	vld.idx.msk [tilespmem:v27+s15+$0x0], $0xffff  }
0xf8: {  	v36 =	vor.u32 $0xA, v1;
	v39 =	vld.idx.msk [tilespmem:v30+s15+$0x0], $0xffff;
	v38 =	vmul.f32 v28, v13;
	v3 =	vadd.f32 v4, v3  }
0xf9: {  	v41 =	vor.u32 $0xB, v2;
	v7 =	vld.idx.msk [tilespmem:v29+s13+$0x0], $0xffff  }
0xfa: {  	v40 =	vor.u32 $0xB, v1;
	v43 =	vld.idx.msk [tilespmem:v34+s15+$0x0], $0xffff;
	v42 =	vmul.f32 v32, v10;
	v3 =	vadd.f32 v38, v3  }
0xfb: {  	v45 =	vor.u32 $0xC, v2;
	v9 =	vld.idx.msk [tilespmem:v33+s13+$0x0], $0xffff  }
0xfc: {  	v44 =	vor.u32 $0xC, v1;
	v47 =	vld.idx.msk [tilespmem:v37+s15+$0x0], $0xffff;
	v46 =	vmul.f32 v35, v12;
	v3 =	vadd.f32 v42, v3  }
0xfd: {  	v48 =	vor.u32 $0xD, v1;
	v11 =	vld.idx.msk [tilespmem:v36+s13+$0x0], $0xffff  }
0xfe: {  	v49 =	vor.u32 $0xD, v2;
	v51 =	vld.idx.msk [tilespmem:v41+s15+$0x0], $0xffff;
	v50 =	vmul.f32 v39, v7;
	v3 =	vadd.f32 v46, v3  }
0xff: {  	v53 =	vor.u32 $0xE, v2;
	v13 =	vld.idx.msk [tilespmem:v40+s13+$0x0], $0xffff  }
0x100: {  	v52 =	vor.u32 $0xE, v1;
	v55 =	vld.idx.msk [tilespmem:v45+s15+$0x0], $0xffff;
	v54 =	vmul.f32 v43, v9;
	v3 =	vadd.f32 v50, v3  }
0x101: {  	v1 =	vor.u32 $0xF, v1;
	v10 =	vld.idx.msk [tilespmem:v44+s13+$0x0], $0xffff  }
0x102: {  	v2 =	vor.u32 $0xF, v2;
	v56 =	vld.idx.msk [tilespmem:v48+s13+$0x0], $0xffff;
	v57 =	vmul.f32 v47, v11;
	v3 =	vadd.f32 v54, v3  }
0x103: {  	v58 =	vld.idx.msk [tilespmem:v49+s15+$0x0], $0xffff  }
0x104: {  	v60 =	vld.idx.msk [tilespmem:v53+s15+$0x0], $0xffff;
	v59 =	vmul.f32 v51, v13;
	v3 =	vadd.f32 v57, v3  }
0x105: {  	v7 =	vld.idx.msk [tilespmem:v52+s13+$0x0], $0xffff  }
0x106: {  	v1 =	vld.idx.msk [tilespmem:v1+s13+$0x0], $0xffff;
	v61 =	vmul.f32 v55, v10;
	v3 =	vadd.f32 v59, v3  }
0x107: {  	v2 =	vld.idx.msk [tilespmem:v2+s15+$0x0], $0xffff  }
0x108: {  	v62 =	vmul.f32 v58, v56;
	v3 =	vadd.f32 v61, v3;
	_ =	sdelay $0x1  }
0x109: {  	v63 =	vmul.f32 v60, v7;
	v3 =	vadd.f32 v62, v3;
	_ =	sdelay $0x1  }
0x10a: {  	v1 =	vmul.f32 v2, v1;
	v3 =	vadd.f32 v63, v3;
	_ =	sdelay $0x1  }
0x10b: {  	v1 =	vadd.f32 v1, v3  }
0x10c: {  	s28 =	simm.s32 $0x10900  }
0x10d: {  	s29 =	simm.s32 $0x110;
	[tilespmem:s28+$0x0] =	vst v1  }
0x10e: {  	s30 =	simm.s32 $0x310;
	v2 =	vld [tilespmem:s29+$0x0]  }
0x10f: {  	s31 =	simm.s32 $0x10;
	s0 =	simm.s32 $0x20;
	v1 =	vld [tilespmem:s30+$0x0]  }
.LBB2_6:
0x110: {  	p0 =	sne.s32 s0, $0xF0;
	_ =	sdelay $0x1  }
0x111: {  	v3 =	vmov s31;
	s31 =	smov.u32 s0  }
0x112: {  	v3 =	vshll.u32 v3, $0x7;
	v2 =	vshll.u32 v2, $0x4  }
0x113: {  	v3 =	vor.u32 v0, v3;
	v2 =	vand.u32 $0x70, v2;
	v1 =	vshll.u32 v1, $0x4  }
0x114: {  	v1 =	vand.u32 $0x70, v1;
	v2 =	vor.u32 v3, v2  }
0x115: {  	v1 =	vor.u32 v3, v1  }
0x116: {  	v3 =	vor.u32 $0x1, v2  }
0x117: {  	v4 =	vor.u32 $0x1, v1  }
0x118: {  	v5 =	vor.u32 $0x2, v2  }
0x119: {  	v7 =	vor.u32 $0x2, v1;
	v6 =	vld.idx.msk [tilespmem:v2+s13+$0x0], $0xffff  }
0x11a: {  	v9 =	vor.u32 $0x3, v2;
	v8 =	vld.idx.msk [tilespmem:v1+s15+$0x0], $0xffff  }
0x11b: {  	v10 =	vor.u32 $0x3, v1;
	v3 =	vld.idx.msk [tilespmem:v3+s13+$0x0], $0xffff  }
0x11c: {  	v11 =	vor.u32 $0x4, v2;
	v4 =	vld.idx.msk [tilespmem:v4+s15+$0x0], $0xffff  }
0x11d: {  	v12 =	vor.u32 $0x4, v1;
	v5 =	vld.idx.msk [tilespmem:v5+s13+$0x0], $0xffff  }
0x11e: {  	v13 =	vor.u32 $0x5, v2;
	v7 =	vld.idx.msk [tilespmem:v7+s15+$0x0], $0xffff  }
0x11f: {  	v14 =	vor.u32 $0x5, v1;
	v9 =	vld.idx.msk [tilespmem:v9+s13+$0x0], $0xffff  }
0x120: {  	v6 =	vmul.f32 v8, v6;
	v8 =	vld.idx.msk [tilespmem:v10+s15+$0x0], $0xffff;
	v10 =	vor.u32 $0x6, v2  }
0x121: {  	v15 =	vor.u32 $0x6, v1;
	v11 =	vld.idx.msk [tilespmem:v11+s13+$0x0], $0xffff  }
0x122: {  	v6 =	vadd.f32 $0.0e+00, v6;
	v3 =	vmul.f32 v4, v3;
	v4 =	vld.idx.msk [tilespmem:v12+s15+$0x0], $0xffff;
	v12 =	vor.u32 $0x7, v2  }
0x123: {  	v16 =	vor.u32 $0x7, v1;
	v13 =	vld.idx.msk [tilespmem:v13+s13+$0x0], $0xffff  }
0x124: {  	v3 =	vadd.f32 v3, v6;
	v5 =	vmul.f32 v7, v5;
	v7 =	vor.u32 $0x8, v2;
	v6 =	vld.idx.msk [tilespmem:v14+s15+$0x0], $0xffff  }
0x125: {  	v14 =	vor.u32 $0x8, v1;
	v10 =	vld.idx.msk [tilespmem:v10+s13+$0x0], $0xffff  }
0x126: {  	v3 =	vadd.f32 v5, v3;
	v5 =	vmul.f32 v8, v9;
	v9 =	vor.u32 $0x9, v2;
	v8 =	vld.idx.msk [tilespmem:v15+s15+$0x0], $0xffff  }
0x127: {  	v15 =	vor.u32 $0x9, v1;
	v12 =	vld.idx.msk [tilespmem:v12+s13+$0x0], $0xffff  }
0x128: {  	v3 =	vadd.f32 v5, v3;
	v4 =	vmul.f32 v4, v11;
	v11 =	vor.u32 $0xA, v2;
	v5 =	vld.idx.msk [tilespmem:v16+s15+$0x0], $0xffff  }
0x129: {  	v16 =	vor.u32 $0xA, v1;
	v7 =	vld.idx.msk [tilespmem:v7+s13+$0x0], $0xffff  }
0x12a: {  	v3 =	vadd.f32 v4, v3;
	v4 =	vmul.f32 v6, v13;
	v13 =	vor.u32 $0xB, v2;
	v6 =	vld.idx.msk [tilespmem:v14+s15+$0x0], $0xffff  }
0x12b: {  	v14 =	vor.u32 $0xB, v1;
	v9 =	vld.idx.msk [tilespmem:v9+s13+$0x0], $0xffff  }
0x12c: {  	v3 =	vadd.f32 v4, v3;
	v4 =	vmul.f32 v8, v10;
	v10 =	vor.u32 $0xC, v2;
	v8 =	vld.idx.msk [tilespmem:v15+s15+$0x0], $0xffff  }
0x12d: {  	v15 =	vor.u32 $0xC, v1;
	v11 =	vld.idx.msk [tilespmem:v11+s13+$0x0], $0xffff  }
0x12e: {  	v3 =	vadd.f32 v4, v3;
	v4 =	vmul.f32 v5, v12;
	v12 =	vor.u32 $0xD, v2;
	v5 =	vld.idx.msk [tilespmem:v16+s15+$0x0], $0xffff  }
0x12f: {  	v16 =	vor.u32 $0xD, v1;
	v13 =	vld.idx.msk [tilespmem:v13+s13+$0x0], $0xffff  }
0x130: {  	v3 =	vadd.f32 v4, v3;
	v4 =	vmul.f32 v6, v7;
	v7 =	vor.u32 $0xE, v2;
	v6 =	vld.idx.msk [tilespmem:v14+s15+$0x0], $0xffff  }
0x131: {  	v14 =	vor.u32 $0xE, v1;
	v10 =	vld.idx.msk [tilespmem:v10+s13+$0x0], $0xffff  }
0x132: {  	v2 =	vor.u32 $0xF, v2;
	v3 =	vadd.f32 v4, v3;
	v4 =	vmul.f32 v8, v9;
	v8 =	vld.idx.msk [tilespmem:v15+s15+$0x0], $0xffff  }
0x133: {  	v1 =	vor.u32 $0xF, v1;
	v9 =	vld.idx.msk [tilespmem:v12+s13+$0x0], $0xffff  }
0x134: {  	v3 =	vadd.f32 v4, v3;
	v4 =	vmul.f32 v5, v11;
	v5 =	vld.idx.msk [tilespmem:v16+s15+$0x0], $0xffff  }
0x135: {  	v7 =	vld.idx.msk [tilespmem:v7+s13+$0x0], $0xffff  }
0x136: {  	v3 =	vadd.f32 v4, v3;
	v4 =	vmul.f32 v6, v13;
	v6 =	vld.idx.msk [tilespmem:v14+s15+$0x0], $0xffff  }
0x137: {  	v2 =	vld.idx.msk [tilespmem:v2+s13+$0x0], $0xffff  }
0x138: {  	v3 =	vadd.f32 v4, v3;
	v4 =	vmul.f32 v8, v10;
	v1 =	vld.idx.msk [tilespmem:v1+s15+$0x0], $0xffff;
	_ =	sdelay $0x1  }
0x139: {  	v3 =	vadd.f32 v4, v3;
	v4 =	vmul.f32 v5, v9;
	_ =	sdelay $0x1  }
0x13a: {  	v3 =	vadd.f32 v4, v3;
	v4 =	vmul.f32 v6, v7;
	_ =	sdelay $0x1  }
0x13b: {  	v3 =	vadd.f32 v4, v3;
	v1 =	vmul.f32 v1, v2;
	_ =	sdelay $0x1  }
.Ltmp2:
0x13c: {  	v1 =	vadd.f32 v1, v3;
	(pc) =	sbr.rel @p0 .LBB2_6-.Ltmp2, $4  }
0x13d: {  	s28 =	sadd.s32 $0x10, s28  }
0x13e: {  	s29 =	sadd.s32 $0x10, s29;
	[tilespmem:s28+$0x0] =	vst v1  }
0x13f: {  	s30 =	sadd.s32 $0x10, s30;
	v2 =	vld [tilespmem:s29+$0x0]  }
0x140: {  	s0 =	sadd.s32 $0x10, s0;
	v1 =	vld [tilespmem:s30+$0x0]  }
0x141: {  	_ =	sdelay $0x1  }
0x142: {  	v3 =	vmov s31  }
0x143: {  	v3 =	vshll.u32 v3, $0x7;
	v2 =	vshll.u32 v2, $0x4  }
0x144: {  	v3 =	vor.u32 v0, v3;
	v2 =	vand.u32 $0x70, v2;
	v1 =	vshll.u32 v1, $0x4  }
0x145: {  	v1 =	vand.u32 $0x70, v1;
	v2 =	vor.u32 v3, v2  }
0x146: {  	v1 =	vor.u32 v3, v1  }
0x147: {  	v3 =	vor.u32 $0x1, v2  }
0x148: {  	v4 =	vor.u32 $0x1, v1  }
0x149: {  	v5 =	vor.u32 $0x2, v2  }
0x14a: {  	v7 =	vor.u32 $0x2, v1;
	v6 =	vld.idx.msk [tilespmem:v2+s13+$0x0], $0xffff  }
0x14b: {  	v9 =	vor.u32 $0x3, v2;
	v8 =	vld.idx.msk [tilespmem:v1+s15+$0x0], $0xffff  }
0x14c: {  	v10 =	vor.u32 $0x3, v1;
	v3 =	vld.idx.msk [tilespmem:v3+s13+$0x0], $0xffff  }
0x14d: {  	v11 =	vor.u32 $0x4, v2;
	v4 =	vld.idx.msk [tilespmem:v4+s15+$0x0], $0xffff  }
0x14e: {  	v12 =	vor.u32 $0x4, v1;
	v5 =	vld.idx.msk [tilespmem:v5+s13+$0x0], $0xffff  }
0x14f: {  	v13 =	vor.u32 $0x5, v2;
	v7 =	vld.idx.msk [tilespmem:v7+s15+$0x0], $0xffff  }
0x150: {  	v14 =	vor.u32 $0x5, v1;
	v9 =	vld.idx.msk [tilespmem:v9+s13+$0x0], $0xffff;
	v6 =	vmul.f32 v8, v6  }
0x151: {  	v25 =	vor.u32 $0x6, v2;
	v24 =	vld.idx.msk [tilespmem:v10+s15+$0x0], $0xffff  }
0x152: {  	v15 =	vor.u32 $0x6, v1;
	v11 =	vld.idx.msk [tilespmem:v11+s13+$0x0], $0xffff;
	v3 =	vmul.f32 v4, v3;
	v6 =	vadd.f32 $0.0e+00, v6  }
0x153: {  	v27 =	vor.u32 $0x7, v2;
	v26 =	vld.idx.msk [tilespmem:v12+s15+$0x0], $0xffff  }
0x154: {  	v16 =	vor.u32 $0x7, v1;
	v13 =	vld.idx.msk [tilespmem:v13+s13+$0x0], $0xffff;
	v5 =	vmul.f32 v7, v5;
	v3 =	vadd.f32 v3, v6  }
0x155: {  	v30 =	vor.u32 $0x8, v1;
	v28 =	vld.idx.msk [tilespmem:v14+s15+$0x0], $0xffff  }
0x156: {  	v29 =	vor.u32 $0x8, v2;
	v10 =	vld.idx.msk [tilespmem:v25+s13+$0x0], $0xffff;
	v31 =	vmul.f32 v24, v9;
	v3 =	vadd.f32 v5, v3  }
0x157: {  	v34 =	vor.u32 $0x9, v1;
	v32 =	vld.idx.msk [tilespmem:v15+s15+$0x0], $0xffff  }
0x158: {  	v33 =	vor.u32 $0x9, v2;
	v12 =	vld.idx.msk [tilespmem:v27+s13+$0x0], $0xffff;
	v4 =	vmul.f32 v26, v11;
	v3 =	vadd.f32 v31, v3  }
0x159: {  	v37 =	vor.u32 $0xA, v1;
	v35 =	vld.idx.msk [tilespmem:v16+s15+$0x0], $0xffff  }
0x15a: {  	v36 =	vor.u32 $0xA, v2;
	v39 =	vld.idx.msk [tilespmem:v30+s15+$0x0], $0xffff;
	v38 =	vmul.f32 v28, v13;
	v3 =	vadd.f32 v4, v3  }
0x15b: {  	v41 =	vor.u32 $0xB, v1;
	v7 =	vld.idx.msk [tilespmem:v29+s13+$0x0], $0xffff  }
0x15c: {  	v40 =	vor.u32 $0xB, v2;
	v43 =	vld.idx.msk [tilespmem:v34+s15+$0x0], $0xffff;
	v42 =	vmul.f32 v32, v10;
	v3 =	vadd.f32 v38, v3  }
0x15d: {  	v45 =	vor.u32 $0xC, v1;
	v9 =	vld.idx.msk [tilespmem:v33+s13+$0x0], $0xffff  }
0x15e: {  	v44 =	vor.u32 $0xC, v2;
	v47 =	vld.idx.msk [tilespmem:v37+s15+$0x0], $0xffff;
	v46 =	vmul.f32 v35, v12;
	v3 =	vadd.f32 v42, v3  }
0x15f: {  	v48 =	vor.u32 $0xD, v2;
	v11 =	vld.idx.msk [tilespmem:v36+s13+$0x0], $0xffff  }
0x160: {  	v49 =	vor.u32 $0xD, v1;
	v51 =	vld.idx.msk [tilespmem:v41+s15+$0x0], $0xffff;
	v50 =	vmul.f32 v39, v7;
	v3 =	vadd.f32 v46, v3  }
0x161: {  	v53 =	vor.u32 $0xE, v1;
	v13 =	vld.idx.msk [tilespmem:v40+s13+$0x0], $0xffff  }
0x162: {  	v52 =	vor.u32 $0xE, v2;
	v55 =	vld.idx.msk [tilespmem:v45+s15+$0x0], $0xffff;
	v54 =	vmul.f32 v43, v9;
	v3 =	vadd.f32 v50, v3  }
0x163: {  	v2 =	vor.u32 $0xF, v2;
	v10 =	vld.idx.msk [tilespmem:v44+s13+$0x0], $0xffff  }
0x164: {  	v56 =	vld.idx.msk [tilespmem:v48+s13+$0x0], $0xffff;
	v1 =	vor.u32 $0xF, v1;
	v57 =	vmul.f32 v47, v11;
	v3 =	vadd.f32 v54, v3  }
0x165: {  	v58 =	vld.idx.msk [tilespmem:v49+s15+$0x0], $0xffff  }
0x166: {  	v60 =	vld.idx.msk [tilespmem:v53+s15+$0x0], $0xffff;
	v59 =	vmul.f32 v51, v13;
	v3 =	vadd.f32 v57, v3  }
0x167: {  	v7 =	vld.idx.msk [tilespmem:v52+s13+$0x0], $0xffff  }
0x168: {  	v2 =	vld.idx.msk [tilespmem:v2+s13+$0x0], $0xffff;
	v61 =	vmul.f32 v55, v10;
	v3 =	vadd.f32 v59, v3  }
0x169: {  	v1 =	vld.idx.msk [tilespmem:v1+s15+$0x0], $0xffff  }
0x16a: {  	v62 =	vmul.f32 v58, v56;
	v3 =	vadd.f32 v61, v3;
	_ =	sdelay $0x1  }
0x16b: {  	v63 =	vmul.f32 v60, v7;
	v3 =	vadd.f32 v62, v3;
	_ =	sdelay $0x1  }
0x16c: {  	v1 =	vmul.f32 v1, v2;
	v3 =	vadd.f32 v63, v3;
	_ =	sdelay $0x1  }
0x16d: {  	s26 =	sadd.s32 $0x1, s26;
	v1 =	vadd.f32 v1, v3  }
0x16e: {  	s0 =	sadd.s32 $0x10, s28;
	p0 =	sne.s32 s26, s8  }
.Ltmp3:
0x16f: {  	[tilespmem:s0+$0x0] =	vst v1;
	(pc) =	sbr.rel @p0 .LBB2_1-.Ltmp3, $4  }
0x170: {  	[hbm4b:s7+s2] =	stream.linear.scatter [tilespmem:s25], [sflag:$0x2], $0x200, $0x38;
	[tilespmem:$0x10A00] =	vst v63  }
0x171: {  	_ =	swait.ge [sflag:s9], $0x200  }
0x172: {  	[sflag:s9] =	ssyncset.done $0x0  }
0x173: {  	[sflag:s9] =	ssyncadd.s32 $0xFFFFFE00  }
0x174: {  	_ =	sfence.sel $0x180000  }
0x175: {  	[bflag:$0x0] =	sbarrier.arrive $0xFFFF  }
0x176: {  	_ =	strace $0x90000047  }
0x177: {  	[bflag:$0x2] =	sbarrier.arrive $0xFFFF  }
0x178: {  	p0 =	sne.s32 s1, $0x0;
	s0 =	rddreg [dreg:$0x4]  }
0x179: {  	s0 =	sadd.s32 @!p0 $0x100000, s0  }
0x17a: {  	[sflag:s0] =	ssyncadd.tile.s32 @!p0 $0x1;
	_ =	shalt  }
.Lfunc_end2:
_tile_overlayer_lowered:
.L_overlay_start_2:
0x17b: {  	(tag) =	ssettag $0x2  }
0x17c: {  	s0 =	rddreg [dreg:$0x0];
	s2 =	stileid.u32  }
0x17d: {  	s1 =	rddreg [dreg:$0x1];
	p0 =	sne.s32 s2, $0x0  }
0x17e: {  	s3 =	rddreg [dreg:$0x2];
	[bflag:$0x3] =	sbarrier.arrive $0xFFFF;
	s2 =	simm.s32 @!p0 $0x1C02  }
0x17f: {  	[timem:s3], [sflag:s2] =	dma.local @!p0 [hbm:s0], s1  }
0x180: {  	s0 =	simm.s32 @!p0 $0x2  }
0x181: {  	_ =	swait.ge @!p0 [sflag:s0], s1  }
0x182: {  	s1 =	ssub.s32 @!p0 $0x0, s1;
	[sflag:s0] =	ssyncset.done @!p0 $0x0  }
0x183: {  	[sflag:s0] =	ssyncadd.s32 @!p0 s1  }
0x184: {  	[bflag:$0x3] =	sbarrier.arrive $0xFFFF  }
0x185: {  	_ =	shalt  }

</sc_bundles>
